<compile_context>
chip_gen: v7x
topology: tpu7x:2x2x1
jax: 0.10.2.dev20260603
libtpu: 0.0.44.dev20260713+nightly
codegen_flags: <defaults>
</compile_context>

<pallas_src>
import functools

import jax
import jax.numpy as jnp
from jax import lax
from jax.experimental import pallas as pl
from jax.experimental.pallas import tpu as pltpu
from jax.experimental.pallas import tpu_sc as plsc

_MASK_RATIO = 0.75

_IC = 128
_JC = 128


def _rank_body(noise_row_ref, noise_col_ref, rank_ref, mask_ref, *, L, len_keep):
    ic = pl.program_id(1)
    nj = L // _JC
    ki = noise_col_ref[0]
    ki_b = jnp.broadcast_to(ki, (_IC, _JC))

    def kj_at(jc):
        return noise_row_ref[0, :, pl.ds(jc * _JC, _JC)]

    def before(jc, acc):
        return acc + ((ki_b - kj_at(jc)) >> 31)

    def after(jc, acc):
        return acc - ((kj_at(jc) - ki_b) >> 31)

    U = 4

    def before_u(t, acc):
        for u in range(U):
            acc = before(t * U + u, acc)
        return acc

    def after_u(t, acc):
        for u in range(U):
            acc = after(ic + 1 + t * U + u, acc)
        return acc

    acc = jnp.zeros((_IC, _JC), jnp.int32)
    acc = lax.fori_loop(0, ic // U, before_u, acc)
    acc = lax.fori_loop((ic // U) * U, ic, before, acc)
    n_after = nj - ic - 1
    acc = lax.fori_loop(0, n_after // U, after_u, acc)
    acc = lax.fori_loop(ic + 1 + (n_after // U) * U, nj, after, acc)
    cki = ki_b * _JC + lax.broadcasted_iota(jnp.int32, (_IC, _JC), 0)
    ckj = kj_at(ic) * _JC + lax.broadcasted_iota(jnp.int32, (1, _JC), 1)
    acc = acc - ((ckj - cki) >> 31)

    rank = ic * _JC + jnp.sum(acc, axis=1, keepdims=True)
    rank_ref[0] = rank
    mask_ref[0] = (rank >= len_keep).astype(jnp.float32)


def _compute_rank(noise, interpret=False):
    N, L = noise.shape
    len_keep = int(L * (1 - _MASK_RATIO))
    keys = (noise * float(1 << 23)).astype(jnp.int32)
    body = functools.partial(_rank_body, L=L, len_keep=len_keep)
    rank3, mask3 = pl.pallas_call(
        body,
        grid=(N, L // _IC),
        in_specs=[
            pl.BlockSpec((1, 1, L), lambda r, ic: (r, 0, 0)),
            pl.BlockSpec((1, _IC, 1), lambda r, ic: (r, ic, 0)),
        ],
        out_specs=[
            pl.BlockSpec((1, _IC, 1), lambda r, ic: (r, ic, 0)),
            pl.BlockSpec((1, _IC, 1), lambda r, ic: (r, ic, 0)),
        ],
        out_shape=[
            jax.ShapeDtypeStruct((N, L, 1), jnp.int32),
            jax.ShapeDtypeStruct((N, L, 1), jnp.float32),
        ],
        interpret=interpret,
    )(keys.reshape(N, 1, L), keys.reshape(N, L, 1))
    return rank3.reshape(N, L), mask3.reshape(N, L)


_CR = 4


def _make_sc_gather(N, F, L, D, len_keep):
    n_rows = N * F * D
    workers = 32
    rows_per_w = n_rows // workers
    w_per_n = workers // N
    chunks = rows_per_w // _CR
    mesh = plsc.VectorSubcoreMesh(core_axis_name="c", subcore_axis_name="s")

    @functools.partial(
        pl.kernel,
        mesh=mesh,
        out_type=jax.ShapeDtypeStruct((n_rows, len_keep), jnp.float32),
        scratch_types=(
            [pltpu.VMEM((L,), jnp.int32), pltpu.VMEM((len_keep,), jnp.int32)]
            + [pltpu.VMEM((L,), jnp.float32) for _ in range(2 * _CR)]
            + [pltpu.VMEM((len_keep,), jnp.float32) for _ in range(2 * _CR)]
            + [pltpu.SemaphoreType.DMA for _ in range(4)]
        ),
        compiler_params=pltpu.CompilerParams(needs_layout_passes=False),
    )
    def sc_gather(rank_hbm, xt_hbm, yt_hbm, rank_v, keep_v, *rest):
        ins = (rest[:_CR], rest[_CR:2 * _CR])
        outs = (rest[2 * _CR:3 * _CR], rest[3 * _CR:4 * _CR])
        sem_i = rest[4 * _CR:4 * _CR + 2]
        sem_o = rest[4 * _CR + 2:4 * _CR + 4]
        c = lax.axis_index("c")
        s = lax.axis_index("s")
        w = s * 2 + c
        n = w // w_per_n
        row0 = w * rows_per_w

        pltpu.sync_copy(rank_hbm.at[n], rank_v)

        def inv_body(i, carry):
            rk = rank_v[pl.ds(i * 16, 16)]
            vals = i * 16 + lax.iota(jnp.int32, 16)
            keepm = rk < len_keep
            idxc = jnp.where(keepm, rk, len_keep - 1)
            plsc.store_scatter(keep_v, [idxc], vals, mask=keepm)
            return carry

        lax.fori_loop(0, L // 16, inv_body, 0)

        def start_ins(ch, b):
            rb = row0 + ch * _CR
            for rr in range(_CR):
                pltpu.async_copy(xt_hbm.at[rb + rr], ins[b][rr], sem_i[b])

        def wait_ins(ch, b):
            rb = row0 + ch * _CR
            for rr in range(_CR):
                pltpu.make_async_copy(
                    xt_hbm.at[rb + rr], ins[b][rr], sem_i[b]).wait()

        def wait_outs(ch, b):
            rb = row0 + ch * _CR
            for rr in range(_CR):
                pltpu.make_async_copy(
                    outs[b][rr], yt_hbm.at[rb + rr], sem_o[b]).wait()

        def compute_and_flush(ch, b):
            def q_body(q, carry2):
                idx = keep_v[pl.ds(q * 16, 16)]
                for rr in range(_CR):
                    outs[b][rr][pl.ds(q * 16, 16)] = plsc.load_gather(
                        ins[b][rr], [idx])
                return carry2

            lax.fori_loop(0, len_keep // 16, q_body, 0)
            rb = row0 + ch * _CR
            for rr in range(_CR):
                pltpu.async_copy(outs[b][rr], yt_hbm.at[rb + rr], sem_o[b])

        start_ins(0, 0)

        def pair_body(u, carry):
            ch_a = 2 * u
            ch_b = 2 * u + 1
            start_ins(ch_b, 1)
            wait_ins(ch_a, 0)

            @pl.when(u > 0)
            def _():
                wait_outs(ch_a - 2, 0)

            compute_and_flush(ch_a, 0)

            @pl.when(u + 1 < chunks // 2)
            def _():
                start_ins(ch_a + 2, 0)

            wait_ins(ch_b, 1)

            @pl.when(u > 0)
            def _():
                wait_outs(ch_b - 2, 1)

            compute_and_flush(ch_b, 1)
            return carry

        lax.fori_loop(0, chunks // 2, pair_body, 0)
        wait_outs(chunks - 2, 0)
        wait_outs(chunks - 1, 1)

    return sc_gather


def kernel(x):
    N, F, L, D = x.shape
    len_keep = int(L * (1 - _MASK_RATIO))
    noise = jax.random.uniform(jax.random.key(42), (N, L), dtype=x.dtype)
    rank, mask_row = _compute_rank(noise)
    sc_gather = _make_sc_gather(N, F, L, D, len_keep)
    xt = jnp.transpose(x, (0, 1, 3, 2)).reshape(N * F * D, L)
    yt = sc_gather(rank, xt)
    x_masked = jnp.transpose(yt.reshape(N, F, D, len_keep), (0, 1, 3, 2))
    mask = jnp.broadcast_to(mask_row[:, None, :], (N, F, L))
    ids_restore = jnp.broadcast_to(rank[:, None, :], (N, F, L))
    return (x_masked, mask, ids_restore)

# --- scband reference (transcript-rebuilt; emitter-appended) ---
"""Pipeline reference for scband-random-masking-26508538151366 (READ-ONLY COPY).

The authoritative reference and input builder live on the scoring server;
editing this copy changes nothing except your own understanding.
"""

import jax, jax.numpy as jnp
import numpy as np

MASK_RATIO = 0.75

def setup_inputs(seed: int = 0) -> dict:
    key = jax.random.key(seed)
    x = jax.random.normal(key, (4, 32, 8192, 64), dtype=jnp.float32)
    return {"x": x}

def reference(x):
    N, num_feat, L, D = x.shape
    len_keep = int(L * (1 - MASK_RATIO))
    # per-sample random noise (module generates it internally with torch.rand)
    noise = jax.random.uniform(jax.random.key(42), (N, L), dtype=x.dtype)
    noise = jnp.repeat(noise[:, None, :], num_feat, axis=1)  # [N, num_feat, L]
    ids_shuffle = jnp.argsort(noise, axis=2)
    ids_restore = jnp.argsort(ids_shuffle, axis=2)
    ids_keep = ids_shuffle[:, :, :len_keep]
    idx = jnp.broadcast_to(ids_keep[..., None], (N, num_feat, len_keep, D))
    x_masked = jnp.take_along_axis(x, idx, axis=2)
    mask = jnp.ones((N, num_feat, L), dtype=x.dtype)
    mask = mask.at[:, :, :len_keep].set(0.0)
    mask = jnp.take_along_axis(mask, ids_restore, axis=2)
    return (x_masked, mask, ids_restore)

if __name__ == "__main__":
    import jax
    _d = setup_inputs()
    print(jax.jit(kernel)(*tuple(_d.values())))

</pallas_src>

<mosaic_0001>
#map = affine_map<(d0, d1) -> (0, 0)>
module attributes {stable_mosaic.version = 14 : i64} {
  func.func @sc_gather(%arg0: i32, %arg1: i32, %arg2: memref<4x8192xi32, #tpu.memory_space<hbm>>, %arg3: memref<8192x8192xf32, #tpu.memory_space<hbm>>, %arg4: memref<8192x2048xf32, #tpu.memory_space<hbm>>, %arg5: memref<8192xi32, #tpu.memory_space<vmem>>, %arg6: memref<2048xi32, #tpu.memory_space<vmem>>, %arg7: memref<8192xf32, #tpu.memory_space<vmem>>, %arg8: memref<8192xf32, #tpu.memory_space<vmem>>, %arg9: memref<8192xf32, #tpu.memory_space<vmem>>, %arg10: memref<8192xf32, #tpu.memory_space<vmem>>, %arg11: memref<8192xf32, #tpu.memory_space<vmem>>, %arg12: memref<8192xf32, #tpu.memory_space<vmem>>, %arg13: memref<8192xf32, #tpu.memory_space<vmem>>, %arg14: memref<8192xf32, #tpu.memory_space<vmem>>, %arg15: memref<2048xf32, #tpu.memory_space<vmem>>, %arg16: memref<2048xf32, #tpu.memory_space<vmem>>, %arg17: memref<2048xf32, #tpu.memory_space<vmem>>, %arg18: memref<2048xf32, #tpu.memory_space<vmem>>, %arg19: memref<2048xf32, #tpu.memory_space<vmem>>, %arg20: memref<2048xf32, #tpu.memory_space<vmem>>, %arg21: memref<2048xf32, #tpu.memory_space<vmem>>, %arg22: memref<2048xf32, #tpu.memory_space<vmem>>, %arg23: memref<!tpu.dma_semaphore, #tpu.memory_space<semaphore_mem>>, %arg24: memref<!tpu.dma_semaphore, #tpu.memory_space<semaphore_mem>>, %arg25: memref<!tpu.dma_semaphore, #tpu.memory_space<semaphore_mem>>, %arg26: memref<!tpu.dma_semaphore, #tpu.memory_space<semaphore_mem>>) attributes {dimension_semantics = [#tpu.dimension_semantics<core_parallel>, #tpu.dimension_semantics<subcore_parallel>], iteration_bounds = array<i64: 2, 16>, scalar_prefetch = 0 : i64, scratch_operands = 22 : i64, tpu.core_type = #tpu.core_type<sc_vector_subcore>, window_params = [{transform_indices = #map}, {transform_indices = #map}, {transform_indices = #map}]} {
    %mul3A = arith.constant 2 : i32
    %mul3A_0 = arith.muli %arg1, %mul3A : i32
    %add3A = arith.addi %mul3A_0, %arg0 : i32
    %jit3A = arith.constant 8 : i32
    %div3A = arith.divsi %add3A, %jit3A : i32
    %sign3A = arith.constant 0 : i32
    %sign3A_1 = arith.cmpi sgt, %add3A, %sign3A : i32
    %sign3A_2 = arith.extui %sign3A_1 : i1 to i32
    %sign3A_3 = arith.constant 0 : i32
    %sign3A_4 = arith.cmpi slt, %add3A, %sign3A_3 : i32
    %sign3A_5 = arith.extui %sign3A_4 : i1 to i32
    %sign3A_6 = arith.subi %sign3A_2, %sign3A_5 : i32
    %sign3A_7 = arith.constant 0 : i32
    %sign3A_8 = arith.cmpi sgt, %jit3A, %sign3A_7 : i32
    %sign3A_9 = arith.extui %sign3A_8 : i1 to i32
    %sign3A_10 = arith.constant 0 : i32
    %sign3A_11 = arith.cmpi slt, %jit3A, %sign3A_10 : i32
    %sign3A_12 = arith.extui %sign3A_11 : i1 to i32
    %sign3A_13 = arith.subi %sign3A_9, %sign3A_12 : i32
    %ne3A = arith.cmpi ne, %sign3A_6, %sign3A_13 : i32
    %rem3A = arith.remsi %add3A, %jit3A : i32
    %ne3A_14 = arith.constant 0 : i32
    %ne3A_15 = arith.cmpi ne, %rem3A, %ne3A_14 : i32
    %and3A = arith.andi %ne3A, %ne3A_15 : i1
    %sub3A = arith.constant 1 : i32
    %sub3A_16 = arith.subi %div3A, %sub3A : i32
    %select_n3A = arith.select %and3A, %sub3A_16, %div3A : i32
    %mul3A_17 = arith.constant 256 : i32
    %mul3A_18 = arith.muli %add3A, %mul3A_17 : i32
    "tpu.region"() ({
      %run_scoped3A = tpu.sem_alloc : memref<!tpu.dma_semaphore, #tpu.memory_space<semaphore_mem>>
      %dma_start3A_130 = arith.constant 0 : i32
      %dma_start3A_131 = tpu.memref_slice %arg2[%select_n3A, %dma_start3A_130] : memref<4x8192xi32, #tpu.memory_space<hbm>> -> memref<1x8192xi32, #tpu.memory_space<hbm>>
      %dma_start3A_132 = tpu.memref_squeeze %dma_start3A_131 : memref<1x8192xi32, #tpu.memory_space<hbm>> -> memref<8192xi32, #tpu.memory_space<hbm>>
      %dma_start3A_133 = arith.constant 0 : i32
      %dma_start3A_134 = tpu.memref_slice %arg2[%select_n3A, %dma_start3A_133] : memref<4x8192xi32, #tpu.memory_space<hbm>> -> memref<1x8192xi32, #tpu.memory_space<hbm>>
      %dma_start3A_135 = tpu.memref_squeeze %dma_start3A_134 : memref<1x8192xi32, #tpu.memory_space<hbm>> -> memref<8192xi32, #tpu.memory_space<hbm>>
      tpu.enqueue_dma source(%dma_start3A_135 : memref<8192xi32, #tpu.memory_space<hbm>>) target(%arg5 : memref<8192xi32, #tpu.memory_space<vmem>>) target_semaphore(%run_scoped3A : memref<!tpu.dma_semaphore, #tpu.memory_space<semaphore_mem>>)
      %dma_wait3A_136 = arith.constant 0 : i32
      %dma_wait3A_137 = tpu.memref_slice %arg2[%select_n3A, %dma_wait3A_136] : memref<4x8192xi32, #tpu.memory_space<hbm>> -> memref<1x8192xi32, #tpu.memory_space<hbm>>
      %dma_wait3A_138 = tpu.memref_squeeze %dma_wait3A_137 : memref<1x8192xi32, #tpu.memory_space<hbm>> -> memref<8192xi32, #tpu.memory_space<hbm>>
      %dma_wait3A_139 = arith.constant 0 : i32
      %dma_wait3A_140 = tpu.memref_slice %arg2[%select_n3A, %dma_wait3A_139] : memref<4x8192xi32, #tpu.memory_space<hbm>> -> memref<1x8192xi32, #tpu.memory_space<hbm>>
      %dma_wait3A_141 = tpu.memref_squeeze %dma_wait3A_140 : memref<1x8192xi32, #tpu.memory_space<hbm>> -> memref<8192xi32, #tpu.memory_space<hbm>>
      tpu.wait_dma2 semaphore(%run_scoped3A : memref<!tpu.dma_semaphore, #tpu.memory_space<semaphore_mem>>) src(%dma_wait3A_141 : memref<8192xi32, #tpu.memory_space<hbm>>) dst(%arg5 : memref<8192xi32, #tpu.memory_space<vmem>>)
      tpu.yield
    }) : () -> ()
    %scan3A = arith.constant 0 : i32
    %scan3A_19 = arith.constant 0 : i32
    %scan3A_20 = arith.constant 512 : i32
    %scan3A_21 = arith.addi %scan3A_19, %scan3A_20 : i32
    %scan3A_22 = arith.constant 1 : i32
    scf.for %scan3A_130 = %scan3A_19 to %scan3A_21 step %scan3A_22  : i32 {
      %mul3A_131 = arith.constant 16 : i32
      %mul3A_132 = arith.muli %scan3A_130, %mul3A_131 : i32
      %get3A = arith.index_cast %mul3A_132 : i32 to index
      %get3A_133 = tpu.vector_load %arg5[%get3A] {strides = array<i32>} : memref<8192xi32, #tpu.memory_space<vmem>>, vector<16xi32>,
      %mul3A_134 = arith.constant 16 : i32
      %mul3A_135 = arith.muli %scan3A_130, %mul3A_134 : i32
      %iota3A = tpu.iota {dimensions = array<i32: 0>} : vector<16xi32>
      %add3A_136 = vector.broadcast %mul3A_135 : i32 to vector<16xi32>
      %add3A_137 = arith.addi %add3A_136, %iota3A : vector<16xi32>
      %lt3A = arith.constant 2048 : i32
      %lt3A_138 = vector.broadcast %lt3A : i32 to vector<16xi32>
      %lt3A_139 = arith.cmpi slt, %get3A_133, %lt3A_138 : vector<16xi32>
      %jit3A_140 = arith.constant 2047 : i32
      %broadcast_in_dim3A = vector.broadcast %jit3A_140 : i32 to vector<16xi32>
      %select_n3A_141 = arith.select %lt3A_139, %get3A_133, %broadcast_in_dim3A : vector<16xi1>, vector<16xi32>
      tpu.vector_store_idx %arg6[%select_n3A_141], %add3A_137 masked %lt3A_139 : memref<2048xi32, #tpu.memory_space<vmem>>[vector<16xi32>], vector<16xi32>, vector<16xi1>
    }
    %scan3A_23 = arith.constant 512 : i32
    %add3A_24 = arith.constant 0 : i32
    %add3A_25 = arith.addi %mul3A_18, %add3A_24 : i32
    %add3A_26 = arith.constant 0 : i32
    %add3A_27 = arith.addi %add3A_25, %add3A_26 : i32
    %dma_start3A = arith.constant 0 : i32
    %dma_start3A_28 = tpu.memref_slice %arg3[%add3A_27, %dma_start3A] : memref<8192x8192xf32, #tpu.memory_space<hbm>> -> memref<1x8192xf32, #tpu.memory_space<hbm>>
    %dma_start3A_29 = tpu.memref_squeeze %dma_start3A_28 : memref<1x8192xf32, #tpu.memory_space<hbm>> -> memref<8192xf32, #tpu.memory_space<hbm>>
    %dma_start3A_30 = arith.constant 0 : i32
    %dma_start3A_31 = tpu.memref_slice %arg3[%add3A_27, %dma_start3A_30] : memref<8192x8192xf32, #tpu.memory_space<hbm>> -> memref<1x8192xf32, #tpu.memory_space<hbm>>
    %dma_start3A_32 = tpu.memref_squeeze %dma_start3A_31 : memref<1x8192xf32, #tpu.memory_space<hbm>> -> memref<8192xf32, #tpu.memory_space<hbm>>
    tpu.enqueue_dma source(%dma_start3A_32 : memref<8192xf32, #tpu.memory_space<hbm>>) target(%arg7 : memref<8192xf32, #tpu.memory_space<vmem>>) target_semaphore(%arg23 : memref<!tpu.dma_semaphore, #tpu.memory_space<semaphore_mem>>)
    %add3A_33 = arith.constant 1 : i32
    %add3A_34 = arith.addi %add3A_25, %add3A_33 : i32
    %dma_start3A_35 = arith.constant 0 : i32
    %dma_start3A_36 = tpu.memref_slice %arg3[%add3A_34, %dma_start3A_35] : memref<8192x8192xf32, #tpu.memory_space<hbm>> -> memref<1x8192xf32, #tpu.memory_space<hbm>>
    %dma_start3A_37 = tpu.memref_squeeze %dma_start3A_36 : memref<1x8192xf32, #tpu.memory_space<hbm>> -> memref<8192xf32, #tpu.memory_space<hbm>>
    %dma_start3A_38 = arith.constant 0 : i32
    %dma_start3A_39 = tpu.memref_slice %arg3[%add3A_34, %dma_start3A_38] : memref<8192x8192xf32, #tpu.memory_space<hbm>> -> memref<1x8192xf32, #tpu.memory_space<hbm>>
    %dma_start3A_40 = tpu.memref_squeeze %dma_start3A_39 : memref<1x8192xf32, #tpu.memory_space<hbm>> -> memref<8192xf32, #tpu.memory_space<hbm>>
    tpu.enqueue_dma source(%dma_start3A_40 : memref<8192xf32, #tpu.memory_space<hbm>>) target(%arg8 : memref<8192xf32, #tpu.memory_space<vmem>>) target_semaphore(%arg23 : memref<!tpu.dma_semaphore, #tpu.memory_space<semaphore_mem>>)
    %add3A_41 = arith.constant 2 : i32
    %add3A_42 = arith.addi %add3A_25, %add3A_41 : i32
    %dma_start3A_43 = arith.constant 0 : i32
    %dma_start3A_44 = tpu.memref_slice %arg3[%add3A_42, %dma_start3A_43] : memref<8192x8192xf32, #tpu.memory_space<hbm>> -> memref<1x8192xf32, #tpu.memory_space<hbm>>
    %dma_start3A_45 = tpu.memref_squeeze %dma_start3A_44 : memref<1x8192xf32, #tpu.memory_space<hbm>> -> memref<8192xf32, #tpu.memory_space<hbm>>
    %dma_start3A_46 = arith.constant 0 : i32
    %dma_start3A_47 = tpu.memref_slice %arg3[%add3A_42, %dma_start3A_46] : memref<8192x8192xf32, #tpu.memory_space<hbm>> -> memref<1x8192xf32, #tpu.memory_space<hbm>>
    %dma_start3A_48 = tpu.memref_squeeze %dma_start3A_47 : memref<1x8192xf32, #tpu.memory_space<hbm>> -> memref<8192xf32, #tpu.memory_space<hbm>>
    tpu.enqueue_dma source(%dma_start3A_48 : memref<8192xf32, #tpu.memory_space<hbm>>) target(%arg9 : memref<8192xf32, #tpu.memory_space<vmem>>) target_semaphore(%arg23 : memref<!tpu.dma_semaphore, #tpu.memory_space<semaphore_mem>>)
    %add3A_49 = arith.constant 3 : i32
    %add3A_50 = arith.addi %add3A_25, %add3A_49 : i32
    %dma_start3A_51 = arith.constant 0 : i32
    %dma_start3A_52 = tpu.memref_slice %arg3[%add3A_50, %dma_start3A_51] : memref<8192x8192xf32, #tpu.memory_space<hbm>> -> memref<1x8192xf32, #tpu.memory_space<hbm>>
    %dma_start3A_53 = tpu.memref_squeeze %dma_start3A_52 : memref<1x8192xf32, #tpu.memory_space<hbm>> -> memref<8192xf32, #tpu.memory_space<hbm>>
    %dma_start3A_54 = arith.constant 0 : i32
    %dma_start3A_55 = tpu.memref_slice %arg3[%add3A_50, %dma_start3A_54] : memref<8192x8192xf32, #tpu.memory_space<hbm>> -> memref<1x8192xf32, #tpu.memory_space<hbm>>
    %dma_start3A_56 = tpu.memref_squeeze %dma_start3A_55 : memref<1x8192xf32, #tpu.memory_space<hbm>> -> memref<8192xf32, #tpu.memory_space<hbm>>
    tpu.enqueue_dma source(%dma_start3A_56 : memref<8192xf32, #tpu.memory_space<hbm>>) target(%arg10 : memref<8192xf32, #tpu.memory_space<vmem>>) target_semaphore(%arg23 : memref<!tpu.dma_semaphore, #tpu.memory_space<semaphore_mem>>)
    %scan3A_57 = arith.constant 0 : i32
    %scan3A_58 = arith.constant 0 : i32
    %scan3A_59 = arith.constant 32 : i32
    %scan3A_60 = arith.addi %scan3A_58, %scan3A_59 : i32
    %scan3A_61 = arith.constant 1 : i32
    scf.for %scan3A_130 = %scan3A_58 to %scan3A_60 step %scan3A_61  : i32 {
      %mul3A_131 = arith.constant 2 : i32
      %mul3A_132 = arith.muli %mul3A_131, %scan3A_130 : i32
      %mul3A_133 = arith.constant 2 : i32
      %mul3A_134 = arith.muli %mul3A_133, %scan3A_130 : i32
      %add3A_135 = arith.constant 1 : i32
      %add3A_136 = arith.addi %mul3A_134, %add3A_135 : i32
      %mul3A_137 = arith.constant 4 : i32
      %mul3A_138 = arith.muli %add3A_136, %mul3A_137 : i32
      %add3A_139 = arith.addi %mul3A_18, %mul3A_138 : i32
      %add3A_140 = arith.constant 0 : i32
      %add3A_141 = arith.addi %add3A_139, %add3A_140 : i32
      %dma_start3A_142 = arith.constant 0 : i32
      %dma_start3A_143 = tpu.memref_slice %arg3[%add3A_141, %dma_start3A_142] : memref<8192x8192xf32, #tpu.memory_space<hbm>> -> memref<1x8192xf32, #tpu.memory_space<hbm>>
      %dma_start3A_144 = tpu.memref_squeeze %dma_start3A_143 : memref<1x8192xf32, #tpu.memory_space<hbm>> -> memref<8192xf32, #tpu.memory_space<hbm>>
      %dma_start3A_145 = arith.constant 0 : i32
      %dma_start3A_146 = tpu.memref_slice %arg3[%add3A_141, %dma_start3A_145] : memref<8192x8192xf32, #tpu.memory_space<hbm>> -> memref<1x8192xf32, #tpu.memory_space<hbm>>
      %dma_start3A_147 = tpu.memref_squeeze %dma_start3A_146 : memref<1x8192xf32, #tpu.memory_space<hbm>> -> memref<8192xf32, #tpu.memory_space<hbm>>
      tpu.enqueue_dma source(%dma_start3A_147 : memref<8192xf32, #tpu.memory_space<hbm>>) target(%arg11 : memref<8192xf32, #tpu.memory_space<vmem>>) target_semaphore(%arg24 : memref<!tpu.dma_semaphore, #tpu.memory_space<semaphore_mem>>)
      %add3A_148 = arith.constant 1 : i32
      %add3A_149 = arith.addi %add3A_139, %add3A_148 : i32
      %dma_start3A_150 = arith.constant 0 : i32
      %dma_start3A_151 = tpu.memref_slice %arg3[%add3A_149, %dma_start3A_150] : memref<8192x8192xf32, #tpu.memory_space<hbm>> -> memref<1x8192xf32, #tpu.memory_space<hbm>>
      %dma_start3A_152 = tpu.memref_squeeze %dma_start3A_151 : memref<1x8192xf32, #tpu.memory_space<hbm>> -> memref<8192xf32, #tpu.memory_space<hbm>>
      %dma_start3A_153 = arith.constant 0 : i32
      %dma_start3A_154 = tpu.memref_slice %arg3[%add3A_149, %dma_start3A_153] : memref<8192x8192xf32, #tpu.memory_space<hbm>> -> memref<1x8192xf32, #tpu.memory_space<hbm>>
      %dma_start3A_155 = tpu.memref_squeeze %dma_start3A_154 : memref<1x8192xf32, #tpu.memory_space<hbm>> -> memref<8192xf32, #tpu.memory_space<hbm>>
      tpu.enqueue_dma source(%dma_start3A_155 : memref<8192xf32, #tpu.memory_space<hbm>>) target(%arg12 : memref<8192xf32, #tpu.memory_space<vmem>>) target_semaphore(%arg24 : memref<!tpu.dma_semaphore, #tpu.memory_space<semaphore_mem>>)
      %add3A_156 = arith.constant 2 : i32
      %add3A_157 = arith.addi %add3A_139, %add3A_156 : i32
      %dma_start3A_158 = arith.constant 0 : i32
      %dma_start3A_159 = tpu.memref_slice %arg3[%add3A_157, %dma_start3A_158] : memref<8192x8192xf32, #tpu.memory_space<hbm>> -> memref<1x8192xf32, #tpu.memory_space<hbm>>
      %dma_start3A_160 = tpu.memref_squeeze %dma_start3A_159 : memref<1x8192xf32, #tpu.memory_space<hbm>> -> memref<8192xf32, #tpu.memory_space<hbm>>
      %dma_start3A_161 = arith.constant 0 : i32
      %dma_start3A_162 = tpu.memref_slice %arg3[%add3A_157, %dma_start3A_161] : memref<8192x8192xf32, #tpu.memory_space<hbm>> -> memref<1x8192xf32, #tpu.memory_space<hbm>>
      %dma_start3A_163 = tpu.memref_squeeze %dma_start3A_162 : memref<1x8192xf32, #tpu.memory_space<hbm>> -> memref<8192xf32, #tpu.memory_space<hbm>>
      tpu.enqueue_dma source(%dma_start3A_163 : memref<8192xf32, #tpu.memory_space<hbm>>) target(%arg13 : memref<8192xf32, #tpu.memory_space<vmem>>) target_semaphore(%arg24 : memref<!tpu.dma_semaphore, #tpu.memory_space<semaphore_mem>>)
      %add3A_164 = arith.constant 3 : i32
      %add3A_165 = arith.addi %add3A_139, %add3A_164 : i32
      %dma_start3A_166 = arith.constant 0 : i32
      %dma_start3A_167 = tpu.memref_slice %arg3[%add3A_165, %dma_start3A_166] : memref<8192x8192xf32, #tpu.memory_space<hbm>> -> memref<1x8192xf32, #tpu.memory_space<hbm>>
      %dma_start3A_168 = tpu.memref_squeeze %dma_start3A_167 : memref<1x8192xf32, #tpu.memory_space<hbm>> -> memref<8192xf32, #tpu.memory_space<hbm>>
      %dma_start3A_169 = arith.constant 0 : i32
      %dma_start3A_170 = tpu.memref_slice %arg3[%add3A_165, %dma_start3A_169] : memref<8192x8192xf32, #tpu.memory_space<hbm>> -> memref<1x8192xf32, #tpu.memory_space<hbm>>
      %dma_start3A_171 = tpu.memref_squeeze %dma_start3A_170 : memref<1x8192xf32, #tpu.memory_space<hbm>> -> memref<8192xf32, #tpu.memory_space<hbm>>
      tpu.enqueue_dma source(%dma_start3A_171 : memref<8192xf32, #tpu.memory_space<hbm>>) target(%arg14 : memref<8192xf32, #tpu.memory_space<vmem>>) target_semaphore(%arg24 : memref<!tpu.dma_semaphore, #tpu.memory_space<semaphore_mem>>)
      %mul3A_172 = arith.constant 4 : i32
      %mul3A_173 = arith.muli %mul3A_132, %mul3A_172 : i32
      %add3A_174 = arith.addi %mul3A_18, %mul3A_173 : i32
      %add3A_175 = arith.constant 0 : i32
      %add3A_176 = arith.addi %add3A_174, %add3A_175 : i32
      %dma_wait3A_177 = arith.constant 0 : i32
      %dma_wait3A_178 = tpu.memref_slice %arg3[%add3A_176, %dma_wait3A_177] : memref<8192x8192xf32, #tpu.memory_space<hbm>> -> memref<1x8192xf32, #tpu.memory_space<hbm>>
      %dma_wait3A_179 = tpu.memref_squeeze %dma_wait3A_178 : memref<1x8192xf32, #tpu.memory_space<hbm>> -> memref<8192xf32, #tpu.memory_space<hbm>>
      %dma_wait3A_180 = arith.constant 0 : i32
      %dma_wait3A_181 = tpu.memref_slice %arg3[%add3A_176, %dma_wait3A_180] : memref<8192x8192xf32, #tpu.memory_space<hbm>> -> memref<1x8192xf32, #tpu.memory_space<hbm>>
      %dma_wait3A_182 = tpu.memref_squeeze %dma_wait3A_181 : memref<1x8192xf32, #tpu.memory_space<hbm>> -> memref<8192xf32, #tpu.memory_space<hbm>>
      tpu.wait_dma2 semaphore(%arg23 : memref<!tpu.dma_semaphore, #tpu.memory_space<semaphore_mem>>) src(%dma_wait3A_182 : memref<8192xf32, #tpu.memory_space<hbm>>) dst(%arg7 : memref<8192xf32, #tpu.memory_space<vmem>>)
      %add3A_183 = arith.constant 1 : i32
      %add3A_184 = arith.addi %add3A_174, %add3A_183 : i32
      %dma_wait3A_185 = arith.constant 0 : i32
      %dma_wait3A_186 = tpu.memref_slice %arg3[%add3A_184, %dma_wait3A_185] : memref<8192x8192xf32, #tpu.memory_space<hbm>> -> memref<1x8192xf32, #tpu.memory_space<hbm>>
      %dma_wait3A_187 = tpu.memref_squeeze %dma_wait3A_186 : memref<1x8192xf32, #tpu.memory_space<hbm>> -> memref<8192xf32, #tpu.memory_space<hbm>>
      %dma_wait3A_188 = arith.constant 0 : i32
      %dma_wait3A_189 = tpu.memref_slice %arg3[%add3A_184, %dma_wait3A_188] : memref<8192x8192xf32, #tpu.memory_space<hbm>> -> memref<1x8192xf32, #tpu.memory_space<hbm>>
      %dma_wait3A_190 = tpu.memref_squeeze %dma_wait3A_189 : memref<1x8192xf32, #tpu.memory_space<hbm>> -> memref<8192xf32, #tpu.memory_space<hbm>>
      tpu.wait_dma2 semaphore(%arg23 : memref<!tpu.dma_semaphore, #tpu.memory_space<semaphore_mem>>) src(%dma_wait3A_190 : memref<8192xf32, #tpu.memory_space<hbm>>) dst(%arg8 : memref<8192xf32, #tpu.memory_space<vmem>>)
      %add3A_191 = arith.constant 2 : i32
      %add3A_192 = arith.addi %add3A_174, %add3A_191 : i32
      %dma_wait3A_193 = arith.constant 0 : i32
      %dma_wait3A_194 = tpu.memref_slice %arg3[%add3A_192, %dma_wait3A_193] : memref<8192x8192xf32, #tpu.memory_space<hbm>> -> memref<1x8192xf32, #tpu.memory_space<hbm>>
      %dma_wait3A_195 = tpu.memref_squeeze %dma_wait3A_194 : memref<1x8192xf32, #tpu.memory_space<hbm>> -> memref<8192xf32, #tpu.memory_space<hbm>>
      %dma_wait3A_196 = arith.constant 0 : i32
      %dma_wait3A_197 = tpu.memref_slice %arg3[%add3A_192, %dma_wait3A_196] : memref<8192x8192xf32, #tpu.memory_space<hbm>> -> memref<1x8192xf32, #tpu.memory_space<hbm>>
      %dma_wait3A_198 = tpu.memref_squeeze %dma_wait3A_197 : memref<1x8192xf32, #tpu.memory_space<hbm>> -> memref<8192xf32, #tpu.memory_space<hbm>>
      tpu.wait_dma2 semaphore(%arg23 : memref<!tpu.dma_semaphore, #tpu.memory_space<semaphore_mem>>) src(%dma_wait3A_198 : memref<8192xf32, #tpu.memory_space<hbm>>) dst(%arg9 : memref<8192xf32, #tpu.memory_space<vmem>>)
      %add3A_199 = arith.constant 3 : i32
      %add3A_200 = arith.addi %add3A_174, %add3A_199 : i32
      %dma_wait3A_201 = arith.constant 0 : i32
      %dma_wait3A_202 = tpu.memref_slice %arg3[%add3A_200, %dma_wait3A_201] : memref<8192x8192xf32, #tpu.memory_space<hbm>> -> memref<1x8192xf32, #tpu.memory_space<hbm>>
      %dma_wait3A_203 = tpu.memref_squeeze %dma_wait3A_202 : memref<1x8192xf32, #tpu.memory_space<hbm>> -> memref<8192xf32, #tpu.memory_space<hbm>>
      %dma_wait3A_204 = arith.constant 0 : i32
      %dma_wait3A_205 = tpu.memref_slice %arg3[%add3A_200, %dma_wait3A_204] : memref<8192x8192xf32, #tpu.memory_space<hbm>> -> memref<1x8192xf32, #tpu.memory_space<hbm>>
      %dma_wait3A_206 = tpu.memref_squeeze %dma_wait3A_205 : memref<1x8192xf32, #tpu.memory_space<hbm>> -> memref<8192xf32, #tpu.memory_space<hbm>>
      tpu.wait_dma2 semaphore(%arg23 : memref<!tpu.dma_semaphore, #tpu.memory_space<semaphore_mem>>) src(%dma_wait3A_206 : memref<8192xf32, #tpu.memory_space<hbm>>) dst(%arg10 : memref<8192xf32, #tpu.memory_space<vmem>>)
      %gt3A = arith.constant 0 : i32
      %gt3A_207 = arith.cmpi sgt, %scan3A_130, %gt3A : i32
      %convert_element_type3A = arith.extui %gt3A_207 : i1 to i32
      %cond3A = arith.constant 0 : i32
      %cond3A_208 = arith.cmpi ne, %convert_element_type3A, %cond3A : i32
      scf.if %cond3A_208 {
        %sub3A_337 = arith.constant 2 : i32
        %sub3A_338 = arith.subi %mul3A_132, %sub3A_337 : i32
        %mul3A_339 = arith.constant 4 : i32
        %mul3A_340 = arith.muli %sub3A_338, %mul3A_339 : i32
        %add3A_341 = arith.addi %mul3A_18, %mul3A_340 : i32
        %add3A_342 = arith.constant 0 : i32
        %add3A_343 = arith.addi %add3A_341, %add3A_342 : i32
        %dma_wait3A_344 = arith.constant 0 : i32
        %dma_wait3A_345 = tpu.memref_slice %arg4[%add3A_343, %dma_wait3A_344] : memref<8192x2048xf32, #tpu.memory_space<hbm>> -> memref<1x2048xf32, #tpu.memory_space<hbm>>
        %dma_wait3A_346 = tpu.memref_squeeze %dma_wait3A_345 : memref<1x2048xf32, #tpu.memory_space<hbm>> -> memref<2048xf32, #tpu.memory_space<hbm>>
        %dma_wait3A_347 = arith.constant 0 : i32
        %dma_wait3A_348 = tpu.memref_slice %arg4[%add3A_343, %dma_wait3A_347] : memref<8192x2048xf32, #tpu.memory_space<hbm>> -> memref<1x2048xf32, #tpu.memory_space<hbm>>
        %dma_wait3A_349 = tpu.memref_squeeze %dma_wait3A_348 : memref<1x2048xf32, #tpu.memory_space<hbm>> -> memref<2048xf32, #tpu.memory_space<hbm>>
        tpu.wait_dma2 semaphore(%arg25 : memref<!tpu.dma_semaphore, #tpu.memory_space<semaphore_mem>>) src(%arg15 : memref<2048xf32, #tpu.memory_space<vmem>>) dst(%dma_wait3A_349 : memref<2048xf32, #tpu.memory_space<hbm>>)
        %add3A_350 = arith.constant 1 : i32
        %add3A_351 = arith.addi %add3A_341, %add3A_350 : i32
        %dma_wait3A_352 = arith.constant 0 : i32
        %dma_wait3A_353 = tpu.memref_slice %arg4[%add3A_351, %dma_wait3A_352] : memref<8192x2048xf32, #tpu.memory_space<hbm>> -> memref<1x2048xf32, #tpu.memory_space<hbm>>
        %dma_wait3A_354 = tpu.memref_squeeze %dma_wait3A_353 : memref<1x2048xf32, #tpu.memory_space<hbm>> -> memref<2048xf32, #tpu.memory_space<hbm>>
        %dma_wait3A_355 = arith.constant 0 : i32
        %dma_wait3A_356 = tpu.memref_slice %arg4[%add3A_351, %dma_wait3A_355] : memref<8192x2048xf32, #tpu.memory_space<hbm>> -> memref<1x2048xf32, #tpu.memory_space<hbm>>
        %dma_wait3A_357 = tpu.memref_squeeze %dma_wait3A_356 : memref<1x2048xf32, #tpu.memory_space<hbm>> -> memref<2048xf32, #tpu.memory_space<hbm>>
        tpu.wait_dma2 semaphore(%arg25 : memref<!tpu.dma_semaphore, #tpu.memory_space<semaphore_mem>>) src(%arg16 : memref<2048xf32, #tpu.memory_space<vmem>>) dst(%dma_wait3A_357 : memref<2048xf32, #tpu.memory_space<hbm>>)
        %add3A_358 = arith.constant 2 : i32
        %add3A_359 = arith.addi %add3A_341, %add3A_358 : i32
        %dma_wait3A_360 = arith.constant 0 : i32
        %dma_wait3A_361 = tpu.memref_slice %arg4[%add3A_359, %dma_wait3A_360] : memref<8192x2048xf32, #tpu.memory_space<hbm>> -> memref<1x2048xf32, #tpu.memory_space<hbm>>
        %dma_wait3A_362 = tpu.memref_squeeze %dma_wait3A_361 : memref<1x2048xf32, #tpu.memory_space<hbm>> -> memref<2048xf32, #tpu.memory_space<hbm>>
        %dma_wait3A_363 = arith.constant 0 : i32
        %dma_wait3A_364 = tpu.memref_slice %arg4[%add3A_359, %dma_wait3A_363] : memref<8192x2048xf32, #tpu.memory_space<hbm>> -> memref<1x2048xf32, #tpu.memory_space<hbm>>
        %dma_wait3A_365 = tpu.memref_squeeze %dma_wait3A_364 : memref<1x2048xf32, #tpu.memory_space<hbm>> -> memref<2048xf32, #tpu.memory_space<hbm>>
        tpu.wait_dma2 semaphore(%arg25 : memref<!tpu.dma_semaphore, #tpu.memory_space<semaphore_mem>>) src(%arg17 : memref<2048xf32, #tpu.memory_space<vmem>>) dst(%dma_wait3A_365 : memref<2048xf32, #tpu.memory_space<hbm>>)
        %add3A_366 = arith.constant 3 : i32
        %add3A_367 = arith.addi %add3A_341, %add3A_366 : i32
        %dma_wait3A_368 = arith.constant 0 : i32
        %dma_wait3A_369 = tpu.memref_slice %arg4[%add3A_367, %dma_wait3A_368] : memref<8192x2048xf32, #tpu.memory_space<hbm>> -> memref<1x2048xf32, #tpu.memory_space<hbm>>
        %dma_wait3A_370 = tpu.memref_squeeze %dma_wait3A_369 : memref<1x2048xf32, #tpu.memory_space<hbm>> -> memref<2048xf32, #tpu.memory_space<hbm>>
        %dma_wait3A_371 = arith.constant 0 : i32
        %dma_wait3A_372 = tpu.memref_slice %arg4[%add3A_367, %dma_wait3A_371] : memref<8192x2048xf32, #tpu.memory_space<hbm>> -> memref<1x2048xf32, #tpu.memory_space<hbm>>
        %dma_wait3A_373 = tpu.memref_squeeze %dma_wait3A_372 : memref<1x2048xf32, #tpu.memory_space<hbm>> -> memref<2048xf32, #tpu.memory_space<hbm>>
        tpu.wait_dma2 semaphore(%arg25 : memref<!tpu.dma_semaphore, #tpu.memory_space<semaphore_mem>>) src(%arg18 : memref<2048xf32, #tpu.memory_space<vmem>>) dst(%dma_wait3A_373 : memref<2048xf32, #tpu.memory_space<hbm>>)
      } else {
      }
      %scan3A_209 = arith.constant 0 : i32
      %scan3A_210 = arith.constant 0 : i32
      %scan3A_211 = arith.constant 128 : i32
      %scan3A_212 = arith.addi %scan3A_210, %scan3A_211 : i32
      %scan3A_213 = arith.constant 1 : i32
      scf.for %scan3A_337 = %scan3A_210 to %scan3A_212 step %scan3A_213  : i32 {
        %mul3A_338 = arith.constant 16 : i32
        %mul3A_339 = arith.muli %scan3A_337, %mul3A_338 : i32
        %get3A = arith.index_cast %mul3A_339 : i32 to index
        %get3A_340 = tpu.vector_load %arg6[%get3A] {strides = array<i32>} : memref<2048xi32, #tpu.memory_space<vmem>>, vector<16xi32>,
        %gather3A = tpu.vector_load_idx %arg7[%get3A_340] : memref<8192xf32, #tpu.memory_space<vmem>>[vector<16xi32>], vector<16xf32>,
        %mul3A_341 = arith.constant 16 : i32
        %mul3A_342 = arith.muli %scan3A_337, %mul3A_341 : i32
        %swap3A = arith.index_cast %mul3A_342 : i32 to index
        %swap3A_343 = tpu.vector_load %arg15[%swap3A] {strides = array<i32>} : memref<2048xf32, #tpu.memory_space<vmem>>, vector<16xf32>,
        tpu.vector_store %arg15[%swap3A], %gather3A {strides = array<i32>} : memref<2048xf32, #tpu.memory_space<vmem>>, vector<16xf32>,
        %gather3A_344 = tpu.vector_load_idx %arg8[%get3A_340] : memref<8192xf32, #tpu.memory_space<vmem>>[vector<16xi32>], vector<16xf32>,
        %mul3A_345 = arith.constant 16 : i32
        %mul3A_346 = arith.muli %scan3A_337, %mul3A_345 : i32
        %swap3A_347 = arith.index_cast %mul3A_346 : i32 to index
        %swap3A_348 = tpu.vector_load %arg16[%swap3A_347] {strides = array<i32>} : memref<2048xf32, #tpu.memory_space<vmem>>, vector<16xf32>,
        tpu.vector_store %arg16[%swap3A_347], %gather3A_344 {strides = array<i32>} : memref<2048xf32, #tpu.memory_space<vmem>>, vector<16xf32>,
        %gather3A_349 = tpu.vector_load_idx %arg9[%get3A_340] : memref<8192xf32, #tpu.memory_space<vmem>>[vector<16xi32>], vector<16xf32>,
        %mul3A_350 = arith.constant 16 : i32
        %mul3A_351 = arith.muli %scan3A_337, %mul3A_350 : i32
        %swap3A_352 = arith.index_cast %mul3A_351 : i32 to index
        %swap3A_353 = tpu.vector_load %arg17[%swap3A_352] {strides = array<i32>} : memref<2048xf32, #tpu.memory_space<vmem>>, vector<16xf32>,
        tpu.vector_store %arg17[%swap3A_352], %gather3A_349 {strides = array<i32>} : memref<2048xf32, #tpu.memory_space<vmem>>, vector<16xf32>,
        %gather3A_354 = tpu.vector_load_idx %arg10[%get3A_340] : memref<8192xf32, #tpu.memory_space<vmem>>[vector<16xi32>], vector<16xf32>,
        %mul3A_355 = arith.constant 16 : i32
        %mul3A_356 = arith.muli %scan3A_337, %mul3A_355 : i32
        %swap3A_357 = arith.index_cast %mul3A_356 : i32 to index
        %swap3A_358 = tpu.vector_load %arg18[%swap3A_357] {strides = array<i32>} : memref<2048xf32, #tpu.memory_space<vmem>>, vector<16xf32>,
        tpu.vector_store %arg18[%swap3A_357], %gather3A_354 {strides = array<i32>} : memref<2048xf32, #tpu.memory_space<vmem>>, vector<16xf32>,
      }
      %scan3A_214 = arith.constant 128 : i32
      %mul3A_215 = arith.constant 4 : i32
      %mul3A_216 = arith.muli %mul3A_132, %mul3A_215 : i32
      %add3A_217 = arith.addi %mul3A_18, %mul3A_216 : i32
      %add3A_218 = arith.constant 0 : i32
      %add3A_219 = arith.addi %add3A_217, %add3A_218 : i32
      %dma_start3A_220 = arith.constant 0 : i32
      %dma_start3A_221 = tpu.memref_slice %arg4[%add3A_219, %dma_start3A_220] : memref<8192x2048xf32, #tpu.memory_space<hbm>> -> memref<1x2048xf32, #tpu.memory_space<hbm>>
      %dma_start3A_222 = tpu.memref_squeeze %dma_start3A_221 : memref<1x2048xf32, #tpu.memory_space<hbm>> -> memref<2048xf32, #tpu.memory_space<hbm>>
      %dma_start3A_223 = arith.constant 0 : i32
      %dma_start3A_224 = tpu.memref_slice %arg4[%add3A_219, %dma_start3A_223] : memref<8192x2048xf32, #tpu.memory_space<hbm>> -> memref<1x2048xf32, #tpu.memory_space<hbm>>
      %dma_start3A_225 = tpu.memref_squeeze %dma_start3A_224 : memref<1x2048xf32, #tpu.memory_space<hbm>> -> memref<2048xf32, #tpu.memory_space<hbm>>
      tpu.enqueue_dma source(%arg15 : memref<2048xf32, #tpu.memory_space<vmem>>) target(%dma_start3A_225 : memref<2048xf32, #tpu.memory_space<hbm>>) target_semaphore(%arg25 : memref<!tpu.dma_semaphore, #tpu.memory_space<semaphore_mem>>)
      %add3A_226 = arith.constant 1 : i32
      %add3A_227 = arith.addi %add3A_217, %add3A_226 : i32
      %dma_start3A_228 = arith.constant 0 : i32
      %dma_start3A_229 = tpu.memref_slice %arg4[%add3A_227, %dma_start3A_228] : memref<8192x2048xf32, #tpu.memory_space<hbm>> -> memref<1x2048xf32, #tpu.memory_space<hbm>>
      %dma_start3A_230 = tpu.memref_squeeze %dma_start3A_229 : memref<1x2048xf32, #tpu.memory_space<hbm>> -> memref<2048xf32, #tpu.memory_space<hbm>>
      %dma_start3A_231 = arith.constant 0 : i32
      %dma_start3A_232 = tpu.memref_slice %arg4[%add3A_227, %dma_start3A_231] : memref<8192x2048xf32, #tpu.memory_space<hbm>> -> memref<1x2048xf32, #tpu.memory_space<hbm>>
      %dma_start3A_233 = tpu.memref_squeeze %dma_start3A_232 : memref<1x2048xf32, #tpu.memory_space<hbm>> -> memref<2048xf32, #tpu.memory_space<hbm>>
      tpu.enqueue_dma source(%arg16 : memref<2048xf32, #tpu.memory_space<vmem>>) target(%dma_start3A_233 : memref<2048xf32, #tpu.memory_space<hbm>>) target_semaphore(%arg25 : memref<!tpu.dma_semaphore, #tpu.memory_space<semaphore_mem>>)
      %add3A_234 = arith.constant 2 : i32
      %add3A_235 = arith.addi %add3A_217, %add3A_234 : i32
      %dma_start3A_236 = arith.constant 0 : i32
      %dma_start3A_237 = tpu.memref_slice %arg4[%add3A_235, %dma_start3A_236] : memref<8192x2048xf32, #tpu.memory_space<hbm>> -> memref<1x2048xf32, #tpu.memory_space<hbm>>
      %dma_start3A_238 = tpu.memref_squeeze %dma_start3A_237 : memref<1x2048xf32, #tpu.memory_space<hbm>> -> memref<2048xf32, #tpu.memory_space<hbm>>
      %dma_start3A_239 = arith.constant 0 : i32
      %dma_start3A_240 = tpu.memref_slice %arg4[%add3A_235, %dma_start3A_239] : memref<8192x2048xf32, #tpu.memory_space<hbm>> -> memref<1x2048xf32, #tpu.memory_space<hbm>>
      %dma_start3A_241 = tpu.memref_squeeze %dma_start3A_240 : memref<1x2048xf32, #tpu.memory_space<hbm>> -> memref<2048xf32, #tpu.memory_space<hbm>>
      tpu.enqueue_dma source(%arg17 : memref<2048xf32, #tpu.memory_space<vmem>>) target(%dma_start3A_241 : memref<2048xf32, #tpu.memory_space<hbm>>) target_semaphore(%arg25 : memref<!tpu.dma_semaphore, #tpu.memory_space<semaphore_mem>>)
      %add3A_242 = arith.constant 3 : i32
      %add3A_243 = arith.addi %add3A_217, %add3A_242 : i32
      %dma_start3A_244 = arith.constant 0 : i32
      %dma_start3A_245 = tpu.memref_slice %arg4[%add3A_243, %dma_start3A_244] : memref<8192x2048xf32, #tpu.memory_space<hbm>> -> memref<1x2048xf32, #tpu.memory_space<hbm>>
      %dma_start3A_246 = tpu.memref_squeeze %dma_start3A_245 : memref<1x2048xf32, #tpu.memory_space<hbm>> -> memref<2048xf32, #tpu.memory_space<hbm>>
      %dma_start3A_247 = arith.constant 0 : i32
      %dma_start3A_248 = tpu.memref_slice %arg4[%add3A_243, %dma_start3A_247] : memref<8192x2048xf32, #tpu.memory_space<hbm>> -> memref<1x2048xf32, #tpu.memory_space<hbm>>
      %dma_start3A_249 = tpu.memref_squeeze %dma_start3A_248 : memref<1x2048xf32, #tpu.memory_space<hbm>> -> memref<2048xf32, #tpu.memory_space<hbm>>
      tpu.enqueue_dma source(%arg18 : memref<2048xf32, #tpu.memory_space<vmem>>) target(%dma_start3A_249 : memref<2048xf32, #tpu.memory_space<hbm>>) target_semaphore(%arg25 : memref<!tpu.dma_semaphore, #tpu.memory_space<semaphore_mem>>)
      %add3A_250 = arith.constant 1 : i32
      %add3A_251 = arith.addi %scan3A_130, %add3A_250 : i32
      %lt3A = arith.constant 32 : i32
      %lt3A_252 = arith.cmpi slt, %add3A_251, %lt3A : i32
      %convert_element_type3A_253 = arith.extui %lt3A_252 : i1 to i32
      %cond3A_254 = arith.constant 0 : i32
      %cond3A_255 = arith.cmpi ne, %convert_element_type3A_253, %cond3A_254 : i32
      scf.if %cond3A_255 {
        %add3A_337 = arith.constant 2 : i32
        %add3A_338 = arith.addi %mul3A_132, %add3A_337 : i32
        %mul3A_339 = arith.constant 4 : i32
        %mul3A_340 = arith.muli %add3A_338, %mul3A_339 : i32
        %add3A_341 = arith.addi %mul3A_18, %mul3A_340 : i32
        %add3A_342 = arith.constant 0 : i32
        %add3A_343 = arith.addi %add3A_341, %add3A_342 : i32
        %dma_start3A_344 = arith.constant 0 : i32
        %dma_start3A_345 = tpu.memref_slice %arg3[%add3A_343, %dma_start3A_344] : memref<8192x8192xf32, #tpu.memory_space<hbm>> -> memref<1x8192xf32, #tpu.memory_space<hbm>>
        %dma_start3A_346 = tpu.memref_squeeze %dma_start3A_345 : memref<1x8192xf32, #tpu.memory_space<hbm>> -> memref<8192xf32, #tpu.memory_space<hbm>>
        %dma_start3A_347 = arith.constant 0 : i32
        %dma_start3A_348 = tpu.memref_slice %arg3[%add3A_343, %dma_start3A_347] : memref<8192x8192xf32, #tpu.memory_space<hbm>> -> memref<1x8192xf32, #tpu.memory_space<hbm>>
        %dma_start3A_349 = tpu.memref_squeeze %dma_start3A_348 : memref<1x8192xf32, #tpu.memory_space<hbm>> -> memref<8192xf32, #tpu.memory_space<hbm>>
        tpu.enqueue_dma source(%dma_start3A_349 : memref<8192xf32, #tpu.memory_space<hbm>>) target(%arg7 : memref<8192xf32, #tpu.memory_space<vmem>>) target_semaphore(%arg23 : memref<!tpu.dma_semaphore, #tpu.memory_space<semaphore_mem>>)
        %add3A_350 = arith.constant 1 : i32
        %add3A_351 = arith.addi %add3A_341, %add3A_350 : i32
        %dma_start3A_352 = arith.constant 0 : i32
        %dma_start3A_353 = tpu.memref_slice %arg3[%add3A_351, %dma_start3A_352] : memref<8192x8192xf32, #tpu.memory_space<hbm>> -> memref<1x8192xf32, #tpu.memory_space<hbm>>
        %dma_start3A_354 = tpu.memref_squeeze %dma_start3A_353 : memref<1x8192xf32, #tpu.memory_space<hbm>> -> memref<8192xf32, #tpu.memory_space<hbm>>
        %dma_start3A_355 = arith.constant 0 : i32
        %dma_start3A_356 = tpu.memref_slice %arg3[%add3A_351, %dma_start3A_355] : memref<8192x8192xf32, #tpu.memory_space<hbm>> -> memref<1x8192xf32, #tpu.memory_space<hbm>>
        %dma_start3A_357 = tpu.memref_squeeze %dma_start3A_356 : memref<1x8192xf32, #tpu.memory_space<hbm>> -> memref<8192xf32, #tpu.memory_space<hbm>>
        tpu.enqueue_dma source(%dma_start3A_357 : memref<8192xf32, #tpu.memory_space<hbm>>) target(%arg8 : memref<8192xf32, #tpu.memory_space<vmem>>) target_semaphore(%arg23 : memref<!tpu.dma_semaphore, #tpu.memory_space<semaphore_mem>>)
        %add3A_358 = arith.constant 2 : i32
        %add3A_359 = arith.addi %add3A_341, %add3A_358 : i32
        %dma_start3A_360 = arith.constant 0 : i32
        %dma_start3A_361 = tpu.memref_slice %arg3[%add3A_359, %dma_start3A_360] : memref<8192x8192xf32, #tpu.memory_space<hbm>> -> memref<1x8192xf32, #tpu.memory_space<hbm>>
        %dma_start3A_362 = tpu.memref_squeeze %dma_start3A_361 : memref<1x8192xf32, #tpu.memory_space<hbm>> -> memref<8192xf32, #tpu.memory_space<hbm>>
        %dma_start3A_363 = arith.constant 0 : i32
        %dma_start3A_364 = tpu.memref_slice %arg3[%add3A_359, %dma_start3A_363] : memref<8192x8192xf32, #tpu.memory_space<hbm>> -> memref<1x8192xf32, #tpu.memory_space<hbm>>
        %dma_start3A_365 = tpu.memref_squeeze %dma_start3A_364 : memref<1x8192xf32, #tpu.memory_space<hbm>> -> memref<8192xf32, #tpu.memory_space<hbm>>
        tpu.enqueue_dma source(%dma_start3A_365 : memref<8192xf32, #tpu.memory_space<hbm>>) target(%arg9 : memref<8192xf32, #tpu.memory_space<vmem>>) target_semaphore(%arg23 : memref<!tpu.dma_semaphore, #tpu.memory_space<semaphore_mem>>)
        %add3A_366 = arith.constant 3 : i32
        %add3A_367 = arith.addi %add3A_341, %add3A_366 : i32
        %dma_start3A_368 = arith.constant 0 : i32
        %dma_start3A_369 = tpu.memref_slice %arg3[%add3A_367, %dma_start3A_368] : memref<8192x8192xf32, #tpu.memory_space<hbm>> -> memref<1x8192xf32, #tpu.memory_space<hbm>>
        %dma_start3A_370 = tpu.memref_squeeze %dma_start3A_369 : memref<1x8192xf32, #tpu.memory_space<hbm>> -> memref<8192xf32, #tpu.memory_space<hbm>>
        %dma_start3A_371 = arith.constant 0 : i32
        %dma_start3A_372 = tpu.memref_slice %arg3[%add3A_367, %dma_start3A_371] : memref<8192x8192xf32, #tpu.memory_space<hbm>> -> memref<1x8192xf32, #tpu.memory_space<hbm>>
        %dma_start3A_373 = tpu.memref_squeeze %dma_start3A_372 : memref<1x8192xf32, #tpu.memory_space<hbm>> -> memref<8192xf32, #tpu.memory_space<hbm>>
        tpu.enqueue_dma source(%dma_start3A_373 : memref<8192xf32, #tpu.memory_space<hbm>>) target(%arg10 : memref<8192xf32, #tpu.memory_space<vmem>>) target_semaphore(%arg23 : memref<!tpu.dma_semaphore, #tpu.memory_space<semaphore_mem>>)
      } else {
      }
      %mul3A_256 = arith.constant 4 : i32
      %mul3A_257 = arith.muli %add3A_136, %mul3A_256 : i32
      %add3A_258 = arith.addi %mul3A_18, %mul3A_257 : i32
      %add3A_259 = arith.constant 0 : i32
      %add3A_260 = arith.addi %add3A_258, %add3A_259 : i32
      %dma_wait3A_261 = arith.constant 0 : i32
      %dma_wait3A_262 = tpu.memref_slice %arg3[%add3A_260, %dma_wait3A_261] : memref<8192x8192xf32, #tpu.memory_space<hbm>> -> memref<1x8192xf32, #tpu.memory_space<hbm>>
      %dma_wait3A_263 = tpu.memref_squeeze %dma_wait3A_262 : memref<1x8192xf32, #tpu.memory_space<hbm>> -> memref<8192xf32, #tpu.memory_space<hbm>>
      %dma_wait3A_264 = arith.constant 0 : i32
      %dma_wait3A_265 = tpu.memref_slice %arg3[%add3A_260, %dma_wait3A_264] : memref<8192x8192xf32, #tpu.memory_space<hbm>> -> memref<1x8192xf32, #tpu.memory_space<hbm>>
      %dma_wait3A_266 = tpu.memref_squeeze %dma_wait3A_265 : memref<1x8192xf32, #tpu.memory_space<hbm>> -> memref<8192xf32, #tpu.memory_space<hbm>>
      tpu.wait_dma2 semaphore(%arg24 : memref<!tpu.dma_semaphore, #tpu.memory_space<semaphore_mem>>) src(%dma_wait3A_266 : memref<8192xf32, #tpu.memory_space<hbm>>) dst(%arg11 : memref<8192xf32, #tpu.memory_space<vmem>>)
      %add3A_267 = arith.constant 1 : i32
      %add3A_268 = arith.addi %add3A_258, %add3A_267 : i32
      %dma_wait3A_269 = arith.constant 0 : i32
      %dma_wait3A_270 = tpu.memref_slice %arg3[%add3A_268, %dma_wait3A_269] : memref<8192x8192xf32, #tpu.memory_space<hbm>> -> memref<1x8192xf32, #tpu.memory_space<hbm>>
      %dma_wait3A_271 = tpu.memref_squeeze %dma_wait3A_270 : memref<1x8192xf32, #tpu.memory_space<hbm>> -> memref<8192xf32, #tpu.memory_space<hbm>>
      %dma_wait3A_272 = arith.constant 0 : i32
      %dma_wait3A_273 = tpu.memref_slice %arg3[%add3A_268, %dma_wait3A_272] : memref<8192x8192xf32, #tpu.memory_space<hbm>> -> memref<1x8192xf32, #tpu.memory_space<hbm>>
      %dma_wait3A_274 = tpu.memref_squeeze %dma_wait3A_273 : memref<1x8192xf32, #tpu.memory_space<hbm>> -> memref<8192xf32, #tpu.memory_space<hbm>>
      tpu.wait_dma2 semaphore(%arg24 : memref<!tpu.dma_semaphore, #tpu.memory_space<semaphore_mem>>) src(%dma_wait3A_274 : memref<8192xf32, #tpu.memory_space<hbm>>) dst(%arg12 : memref<8192xf32, #tpu.memory_space<vmem>>)
      %add3A_275 = arith.constant 2 : i32
      %add3A_276 = arith.addi %add3A_258, %add3A_275 : i32
      %dma_wait3A_277 = arith.constant 0 : i32
      %dma_wait3A_278 = tpu.memref_slice %arg3[%add3A_276, %dma_wait3A_277] : memref<8192x8192xf32, #tpu.memory_space<hbm>> -> memref<1x8192xf32, #tpu.memory_space<hbm>>
      %dma_wait3A_279 = tpu.memref_squeeze %dma_wait3A_278 : memref<1x8192xf32, #tpu.memory_space<hbm>> -> memref<8192xf32, #tpu.memory_space<hbm>>
      %dma_wait3A_280 = arith.constant 0 : i32
      %dma_wait3A_281 = tpu.memref_slice %arg3[%add3A_276, %dma_wait3A_280] : memref<8192x8192xf32, #tpu.memory_space<hbm>> -> memref<1x8192xf32, #tpu.memory_space<hbm>>
      %dma_wait3A_282 = tpu.memref_squeeze %dma_wait3A_281 : memref<1x8192xf32, #tpu.memory_space<hbm>> -> memref<8192xf32, #tpu.memory_space<hbm>>
      tpu.wait_dma2 semaphore(%arg24 : memref<!tpu.dma_semaphore, #tpu.memory_space<semaphore_mem>>) src(%dma_wait3A_282 : memref<8192xf32, #tpu.memory_space<hbm>>) dst(%arg13 : memref<8192xf32, #tpu.memory_space<vmem>>)
      %add3A_283 = arith.constant 3 : i32
      %add3A_284 = arith.addi %add3A_258, %add3A_283 : i32
      %dma_wait3A_285 = arith.constant 0 : i32
      %dma_wait3A_286 = tpu.memref_slice %arg3[%add3A_284, %dma_wait3A_285] : memref<8192x8192xf32, #tpu.memory_space<hbm>> -> memref<1x8192xf32, #tpu.memory_space<hbm>>
      %dma_wait3A_287 = tpu.memref_squeeze %dma_wait3A_286 : memref<1x8192xf32, #tpu.memory_space<hbm>> -> memref<8192xf32, #tpu.memory_space<hbm>>
      %dma_wait3A_288 = arith.constant 0 : i32
      %dma_wait3A_289 = tpu.memref_slice %arg3[%add3A_284, %dma_wait3A_288] : memref<8192x8192xf32, #tpu.memory_space<hbm>> -> memref<1x8192xf32, #tpu.memory_space<hbm>>
      %dma_wait3A_290 = tpu.memref_squeeze %dma_wait3A_289 : memref<1x8192xf32, #tpu.memory_space<hbm>> -> memref<8192xf32, #tpu.memory_space<hbm>>
      tpu.wait_dma2 semaphore(%arg24 : memref<!tpu.dma_semaphore, #tpu.memory_space<semaphore_mem>>) src(%dma_wait3A_290 : memref<8192xf32, #tpu.memory_space<hbm>>) dst(%arg14 : memref<8192xf32, #tpu.memory_space<vmem>>)
      %gt3A_291 = arith.constant 0 : i32
      %gt3A_292 = arith.cmpi sgt, %scan3A_130, %gt3A_291 : i32
      %convert_element_type3A_293 = arith.extui %gt3A_292 : i1 to i32
      %cond3A_294 = arith.constant 0 : i32
      %cond3A_295 = arith.cmpi ne, %convert_element_type3A_293, %cond3A_294 : i32
      scf.if %cond3A_295 {
        %sub3A_337 = arith.constant 2 : i32
        %sub3A_338 = arith.subi %add3A_136, %sub3A_337 : i32
        %mul3A_339 = arith.constant 4 : i32
        %mul3A_340 = arith.muli %sub3A_338, %mul3A_339 : i32
        %add3A_341 = arith.addi %mul3A_18, %mul3A_340 : i32
        %add3A_342 = arith.constant 0 : i32
        %add3A_343 = arith.addi %add3A_341, %add3A_342 : i32
        %dma_wait3A_344 = arith.constant 0 : i32
        %dma_wait3A_345 = tpu.memref_slice %arg4[%add3A_343, %dma_wait3A_344] : memref<8192x2048xf32, #tpu.memory_space<hbm>> -> memref<1x2048xf32, #tpu.memory_space<hbm>>
        %dma_wait3A_346 = tpu.memref_squeeze %dma_wait3A_345 : memref<1x2048xf32, #tpu.memory_space<hbm>> -> memref<2048xf32, #tpu.memory_space<hbm>>
        %dma_wait3A_347 = arith.constant 0 : i32
        %dma_wait3A_348 = tpu.memref_slice %arg4[%add3A_343, %dma_wait3A_347] : memref<8192x2048xf32, #tpu.memory_space<hbm>> -> memref<1x2048xf32, #tpu.memory_space<hbm>>
        %dma_wait3A_349 = tpu.memref_squeeze %dma_wait3A_348 : memref<1x2048xf32, #tpu.memory_space<hbm>> -> memref<2048xf32, #tpu.memory_space<hbm>>
        tpu.wait_dma2 semaphore(%arg26 : memref<!tpu.dma_semaphore, #tpu.memory_space<semaphore_mem>>) src(%arg19 : memref<2048xf32, #tpu.memory_space<vmem>>) dst(%dma_wait3A_349 : memref<2048xf32, #tpu.memory_space<hbm>>)
        %add3A_350 = arith.constant 1 : i32
        %add3A_351 = arith.addi %add3A_341, %add3A_350 : i32
        %dma_wait3A_352 = arith.constant 0 : i32
        %dma_wait3A_353 = tpu.memref_slice %arg4[%add3A_351, %dma_wait3A_352] : memref<8192x2048xf32, #tpu.memory_space<hbm>> -> memref<1x2048xf32, #tpu.memory_space<hbm>>
        %dma_wait3A_354 = tpu.memref_squeeze %dma_wait3A_353 : memref<1x2048xf32, #tpu.memory_space<hbm>> -> memref<2048xf32, #tpu.memory_space<hbm>>
        %dma_wait3A_355 = arith.constant 0 : i32
        %dma_wait3A_356 = tpu.memref_slice %arg4[%add3A_351, %dma_wait3A_355] : memref<8192x2048xf32, #tpu.memory_space<hbm>> -> memref<1x2048xf32, #tpu.memory_space<hbm>>
        %dma_wait3A_357 = tpu.memref_squeeze %dma_wait3A_356 : memref<1x2048xf32, #tpu.memory_space<hbm>> -> memref<2048xf32, #tpu.memory_space<hbm>>
        tpu.wait_dma2 semaphore(%arg26 : memref<!tpu.dma_semaphore, #tpu.memory_space<semaphore_mem>>) src(%arg20 : memref<2048xf32, #tpu.memory_space<vmem>>) dst(%dma_wait3A_357 : memref<2048xf32, #tpu.memory_space<hbm>>)
        %add3A_358 = arith.constant 2 : i32
        %add3A_359 = arith.addi %add3A_341, %add3A_358 : i32
        %dma_wait3A_360 = arith.constant 0 : i32
        %dma_wait3A_361 = tpu.memref_slice %arg4[%add3A_359, %dma_wait3A_360] : memref<8192x2048xf32, #tpu.memory_space<hbm>> -> memref<1x2048xf32, #tpu.memory_space<hbm>>
        %dma_wait3A_362 = tpu.memref_squeeze %dma_wait3A_361 : memref<1x2048xf32, #tpu.memory_space<hbm>> -> memref<2048xf32, #tpu.memory_space<hbm>>
        %dma_wait3A_363 = arith.constant 0 : i32
        %dma_wait3A_364 = tpu.memref_slice %arg4[%add3A_359, %dma_wait3A_363] : memref<8192x2048xf32, #tpu.memory_space<hbm>> -> memref<1x2048xf32, #tpu.memory_space<hbm>>
        %dma_wait3A_365 = tpu.memref_squeeze %dma_wait3A_364 : memref<1x2048xf32, #tpu.memory_space<hbm>> -> memref<2048xf32, #tpu.memory_space<hbm>>
        tpu.wait_dma2 semaphore(%arg26 : memref<!tpu.dma_semaphore, #tpu.memory_space<semaphore_mem>>) src(%arg21 : memref<2048xf32, #tpu.memory_space<vmem>>) dst(%dma_wait3A_365 : memref<2048xf32, #tpu.memory_space<hbm>>)
        %add3A_366 = arith.constant 3 : i32
        %add3A_367 = arith.addi %add3A_341, %add3A_366 : i32
        %dma_wait3A_368 = arith.constant 0 : i32
        %dma_wait3A_369 = tpu.memref_slice %arg4[%add3A_367, %dma_wait3A_368] : memref<8192x2048xf32, #tpu.memory_space<hbm>> -> memref<1x2048xf32, #tpu.memory_space<hbm>>
        %dma_wait3A_370 = tpu.memref_squeeze %dma_wait3A_369 : memref<1x2048xf32, #tpu.memory_space<hbm>> -> memref<2048xf32, #tpu.memory_space<hbm>>
        %dma_wait3A_371 = arith.constant 0 : i32
        %dma_wait3A_372 = tpu.memref_slice %arg4[%add3A_367, %dma_wait3A_371] : memref<8192x2048xf32, #tpu.memory_space<hbm>> -> memref<1x2048xf32, #tpu.memory_space<hbm>>
        %dma_wait3A_373 = tpu.memref_squeeze %dma_wait3A_372 : memref<1x2048xf32, #tpu.memory_space<hbm>> -> memref<2048xf32, #tpu.memory_space<hbm>>
        tpu.wait_dma2 semaphore(%arg26 : memref<!tpu.dma_semaphore, #tpu.memory_space<semaphore_mem>>) src(%arg22 : memref<2048xf32, #tpu.memory_space<vmem>>) dst(%dma_wait3A_373 : memref<2048xf32, #tpu.memory_space<hbm>>)
      } else {
      }
      %scan3A_296 = arith.constant 0 : i32
      %scan3A_297 = arith.constant 0 : i32
      %scan3A_298 = arith.constant 128 : i32
      %scan3A_299 = arith.addi %scan3A_297, %scan3A_298 : i32
      %scan3A_300 = arith.constant 1 : i32
      scf.for %scan3A_337 = %scan3A_297 to %scan3A_299 step %scan3A_300  : i32 {
        %mul3A_338 = arith.constant 16 : i32
        %mul3A_339 = arith.muli %scan3A_337, %mul3A_338 : i32
        %get3A = arith.index_cast %mul3A_339 : i32 to index
        %get3A_340 = tpu.vector_load %arg6[%get3A] {strides = array<i32>} : memref<2048xi32, #tpu.memory_space<vmem>>, vector<16xi32>,
        %gather3A = tpu.vector_load_idx %arg11[%get3A_340] : memref<8192xf32, #tpu.memory_space<vmem>>[vector<16xi32>], vector<16xf32>,
        %mul3A_341 = arith.constant 16 : i32
        %mul3A_342 = arith.muli %scan3A_337, %mul3A_341 : i32
        %swap3A = arith.index_cast %mul3A_342 : i32 to index
        %swap3A_343 = tpu.vector_load %arg19[%swap3A] {strides = array<i32>} : memref<2048xf32, #tpu.memory_space<vmem>>, vector<16xf32>,
        tpu.vector_store %arg19[%swap3A], %gather3A {strides = array<i32>} : memref<2048xf32, #tpu.memory_space<vmem>>, vector<16xf32>,
        %gather3A_344 = tpu.vector_load_idx %arg12[%get3A_340] : memref<8192xf32, #tpu.memory_space<vmem>>[vector<16xi32>], vector<16xf32>,
        %mul3A_345 = arith.constant 16 : i32
        %mul3A_346 = arith.muli %scan3A_337, %mul3A_345 : i32
        %swap3A_347 = arith.index_cast %mul3A_346 : i32 to index
        %swap3A_348 = tpu.vector_load %arg20[%swap3A_347] {strides = array<i32>} : memref<2048xf32, #tpu.memory_space<vmem>>, vector<16xf32>,
        tpu.vector_store %arg20[%swap3A_347], %gather3A_344 {strides = array<i32>} : memref<2048xf32, #tpu.memory_space<vmem>>, vector<16xf32>,
        %gather3A_349 = tpu.vector_load_idx %arg13[%get3A_340] : memref<8192xf32, #tpu.memory_space<vmem>>[vector<16xi32>], vector<16xf32>,
        %mul3A_350 = arith.constant 16 : i32
        %mul3A_351 = arith.muli %scan3A_337, %mul3A_350 : i32
        %swap3A_352 = arith.index_cast %mul3A_351 : i32 to index
        %swap3A_353 = tpu.vector_load %arg21[%swap3A_352] {strides = array<i32>} : memref<2048xf32, #tpu.memory_space<vmem>>, vector<16xf32>,
        tpu.vector_store %arg21[%swap3A_352], %gather3A_349 {strides = array<i32>} : memref<2048xf32, #tpu.memory_space<vmem>>, vector<16xf32>,
        %gather3A_354 = tpu.vector_load_idx %arg14[%get3A_340] : memref<8192xf32, #tpu.memory_space<vmem>>[vector<16xi32>], vector<16xf32>,
        %mul3A_355 = arith.constant 16 : i32
        %mul3A_356 = arith.muli %scan3A_337, %mul3A_355 : i32
        %swap3A_357 = arith.index_cast %mul3A_356 : i32 to index
        %swap3A_358 = tpu.vector_load %arg22[%swap3A_357] {strides = array<i32>} : memref<2048xf32, #tpu.memory_space<vmem>>, vector<16xf32>,
        tpu.vector_store %arg22[%swap3A_357], %gather3A_354 {strides = array<i32>} : memref<2048xf32, #tpu.memory_space<vmem>>, vector<16xf32>,
      }
      %scan3A_301 = arith.constant 128 : i32
      %mul3A_302 = arith.constant 4 : i32
      %mul3A_303 = arith.muli %add3A_136, %mul3A_302 : i32
      %add3A_304 = arith.addi %mul3A_18, %mul3A_303 : i32
      %add3A_305 = arith.constant 0 : i32
      %add3A_306 = arith.addi %add3A_304, %add3A_305 : i32
      %dma_start3A_307 = arith.constant 0 : i32
      %dma_start3A_308 = tpu.memref_slice %arg4[%add3A_306, %dma_start3A_307] : memref<8192x2048xf32, #tpu.memory_space<hbm>> -> memref<1x2048xf32, #tpu.memory_space<hbm>>
      %dma_start3A_309 = tpu.memref_squeeze %dma_start3A_308 : memref<1x2048xf32, #tpu.memory_space<hbm>> -> memref<2048xf32, #tpu.memory_space<hbm>>
      %dma_start3A_310 = arith.constant 0 : i32
      %dma_start3A_311 = tpu.memref_slice %arg4[%add3A_306, %dma_start3A_310] : memref<8192x2048xf32, #tpu.memory_space<hbm>> -> memref<1x2048xf32, #tpu.memory_space<hbm>>
      %dma_start3A_312 = tpu.memref_squeeze %dma_start3A_311 : memref<1x2048xf32, #tpu.memory_space<hbm>> -> memref<2048xf32, #tpu.memory_space<hbm>>
      tpu.enqueue_dma source(%arg19 : memref<2048xf32, #tpu.memory_space<vmem>>) target(%dma_start3A_312 : memref<2048xf32, #tpu.memory_space<hbm>>) target_semaphore(%arg26 : memref<!tpu.dma_semaphore, #tpu.memory_space<semaphore_mem>>)
      %add3A_313 = arith.constant 1 : i32
      %add3A_314 = arith.addi %add3A_304, %add3A_313 : i32
      %dma_start3A_315 = arith.constant 0 : i32
      %dma_start3A_316 = tpu.memref_slice %arg4[%add3A_314, %dma_start3A_315] : memref<8192x2048xf32, #tpu.memory_space<hbm>> -> memref<1x2048xf32, #tpu.memory_space<hbm>>
      %dma_start3A_317 = tpu.memref_squeeze %dma_start3A_316 : memref<1x2048xf32, #tpu.memory_space<hbm>> -> memref<2048xf32, #tpu.memory_space<hbm>>
      %dma_start3A_318 = arith.constant 0 : i32
      %dma_start3A_319 = tpu.memref_slice %arg4[%add3A_314, %dma_start3A_318] : memref<8192x2048xf32, #tpu.memory_space<hbm>> -> memref<1x2048xf32, #tpu.memory_space<hbm>>
      %dma_start3A_320 = tpu.memref_squeeze %dma_start3A_319 : memref<1x2048xf32, #tpu.memory_space<hbm>> -> memref<2048xf32, #tpu.memory_space<hbm>>
      tpu.enqueue_dma source(%arg20 : memref<2048xf32, #tpu.memory_space<vmem>>) target(%dma_start3A_320 : memref<2048xf32, #tpu.memory_space<hbm>>) target_semaphore(%arg26 : memref<!tpu.dma_semaphore, #tpu.memory_space<semaphore_mem>>)
      %add3A_321 = arith.constant 2 : i32
      %add3A_322 = arith.addi %add3A_304, %add3A_321 : i32
      %dma_start3A_323 = arith.constant 0 : i32
      %dma_start3A_324 = tpu.memref_slice %arg4[%add3A_322, %dma_start3A_323] : memref<8192x2048xf32, #tpu.memory_space<hbm>> -> memref<1x2048xf32, #tpu.memory_space<hbm>>
      %dma_start3A_325 = tpu.memref_squeeze %dma_start3A_324 : memref<1x2048xf32, #tpu.memory_space<hbm>> -> memref<2048xf32, #tpu.memory_space<hbm>>
      %dma_start3A_326 = arith.constant 0 : i32
      %dma_start3A_327 = tpu.memref_slice %arg4[%add3A_322, %dma_start3A_326] : memref<8192x2048xf32, #tpu.memory_space<hbm>> -> memref<1x2048xf32, #tpu.memory_space<hbm>>
      %dma_start3A_328 = tpu.memref_squeeze %dma_start3A_327 : memref<1x2048xf32, #tpu.memory_space<hbm>> -> memref<2048xf32, #tpu.memory_space<hbm>>
      tpu.enqueue_dma source(%arg21 : memref<2048xf32, #tpu.memory_space<vmem>>) target(%dma_start3A_328 : memref<2048xf32, #tpu.memory_space<hbm>>) target_semaphore(%arg26 : memref<!tpu.dma_semaphore, #tpu.memory_space<semaphore_mem>>)
      %add3A_329 = arith.constant 3 : i32
      %add3A_330 = arith.addi %add3A_304, %add3A_329 : i32
      %dma_start3A_331 = arith.constant 0 : i32
      %dma_start3A_332 = tpu.memref_slice %arg4[%add3A_330, %dma_start3A_331] : memref<8192x2048xf32, #tpu.memory_space<hbm>> -> memref<1x2048xf32, #tpu.memory_space<hbm>>
      %dma_start3A_333 = tpu.memref_squeeze %dma_start3A_332 : memref<1x2048xf32, #tpu.memory_space<hbm>> -> memref<2048xf32, #tpu.memory_space<hbm>>
      %dma_start3A_334 = arith.constant 0 : i32
      %dma_start3A_335 = tpu.memref_slice %arg4[%add3A_330, %dma_start3A_334] : memref<8192x2048xf32, #tpu.memory_space<hbm>> -> memref<1x2048xf32, #tpu.memory_space<hbm>>
      %dma_start3A_336 = tpu.memref_squeeze %dma_start3A_335 : memref<1x2048xf32, #tpu.memory_space<hbm>> -> memref<2048xf32, #tpu.memory_space<hbm>>
      tpu.enqueue_dma source(%arg22 : memref<2048xf32, #tpu.memory_space<vmem>>) target(%dma_start3A_336 : memref<2048xf32, #tpu.memory_space<hbm>>) target_semaphore(%arg26 : memref<!tpu.dma_semaphore, #tpu.memory_space<semaphore_mem>>)
    }
    %scan3A_62 = arith.constant 32 : i32
    %add3A_63 = arith.constant 248 : i32
    %add3A_64 = arith.addi %mul3A_18, %add3A_63 : i32
    %add3A_65 = arith.constant 0 : i32
    %add3A_66 = arith.addi %add3A_64, %add3A_65 : i32
    %dma_wait3A = arith.constant 0 : i32
    %dma_wait3A_67 = tpu.memref_slice %arg4[%add3A_66, %dma_wait3A] : memref<8192x2048xf32, #tpu.memory_space<hbm>> -> memref<1x2048xf32, #tpu.memory_space<hbm>>
    %dma_wait3A_68 = tpu.memref_squeeze %dma_wait3A_67 : memref<1x2048xf32, #tpu.memory_space<hbm>> -> memref<2048xf32, #tpu.memory_space<hbm>>
    %dma_wait3A_69 = arith.constant 0 : i32
    %dma_wait3A_70 = tpu.memref_slice %arg4[%add3A_66, %dma_wait3A_69] : memref<8192x2048xf32, #tpu.memory_space<hbm>> -> memref<1x2048xf32, #tpu.memory_space<hbm>>
    %dma_wait3A_71 = tpu.memref_squeeze %dma_wait3A_70 : memref<1x2048xf32, #tpu.memory_space<hbm>> -> memref<2048xf32, #tpu.memory_space<hbm>>
    tpu.wait_dma2 semaphore(%arg25 : memref<!tpu.dma_semaphore, #tpu.memory_space<semaphore_mem>>) src(%arg15 : memref<2048xf32, #tpu.memory_space<vmem>>) dst(%dma_wait3A_71 : memref<2048xf32, #tpu.memory_space<hbm>>)
    %add3A_72 = arith.constant 1 : i32
    %add3A_73 = arith.addi %add3A_64, %add3A_72 : i32
    %dma_wait3A_74 = arith.constant 0 : i32
    %dma_wait3A_75 = tpu.memref_slice %arg4[%add3A_73, %dma_wait3A_74] : memref<8192x2048xf32, #tpu.memory_space<hbm>> -> memref<1x2048xf32, #tpu.memory_space<hbm>>
    %dma_wait3A_76 = tpu.memref_squeeze %dma_wait3A_75 : memref<1x2048xf32, #tpu.memory_space<hbm>> -> memref<2048xf32, #tpu.memory_space<hbm>>
    %dma_wait3A_77 = arith.constant 0 : i32
    %dma_wait3A_78 = tpu.memref_slice %arg4[%add3A_73, %dma_wait3A_77] : memref<8192x2048xf32, #tpu.memory_space<hbm>> -> memref<1x2048xf32, #tpu.memory_space<hbm>>
    %dma_wait3A_79 = tpu.memref_squeeze %dma_wait3A_78 : memref<1x2048xf32, #tpu.memory_space<hbm>> -> memref<2048xf32, #tpu.memory_space<hbm>>
    tpu.wait_dma2 semaphore(%arg25 : memref<!tpu.dma_semaphore, #tpu.memory_space<semaphore_mem>>) src(%arg16 : memref<2048xf32, #tpu.memory_space<vmem>>) dst(%dma_wait3A_79 : memref<2048xf32, #tpu.memory_space<hbm>>)
    %add3A_80 = arith.constant 2 : i32
    %add3A_81 = arith.addi %add3A_64, %add3A_80 : i32
    %dma_wait3A_82 = arith.constant 0 : i32
    %dma_wait3A_83 = tpu.memref_slice %arg4[%add3A_81, %dma_wait3A_82] : memref<8192x2048xf32, #tpu.memory_space<hbm>> -> memref<1x2048xf32, #tpu.memory_space<hbm>>
    %dma_wait3A_84 = tpu.memref_squeeze %dma_wait3A_83 : memref<1x2048xf32, #tpu.memory_space<hbm>> -> memref<2048xf32, #tpu.memory_space<hbm>>
    %dma_wait3A_85 = arith.constant 0 : i32
    %dma_wait3A_86 = tpu.memref_slice %arg4[%add3A_81, %dma_wait3A_85] : memref<8192x2048xf32, #tpu.memory_space<hbm>> -> memref<1x2048xf32, #tpu.memory_space<hbm>>
    %dma_wait3A_87 = tpu.memref_squeeze %dma_wait3A_86 : memref<1x2048xf32, #tpu.memory_space<hbm>> -> memref<2048xf32, #tpu.memory_space<hbm>>
    tpu.wait_dma2 semaphore(%arg25 : memref<!tpu.dma_semaphore, #tpu.memory_space<semaphore_mem>>) src(%arg17 : memref<2048xf32, #tpu.memory_space<vmem>>) dst(%dma_wait3A_87 : memref<2048xf32, #tpu.memory_space<hbm>>)
    %add3A_88 = arith.constant 3 : i32
    %add3A_89 = arith.addi %add3A_64, %add3A_88 : i32
    %dma_wait3A_90 = arith.constant 0 : i32
    %dma_wait3A_91 = tpu.memref_slice %arg4[%add3A_89, %dma_wait3A_90] : memref<8192x2048xf32, #tpu.memory_space<hbm>> -> memref<1x2048xf32, #tpu.memory_space<hbm>>
    %dma_wait3A_92 = tpu.memref_squeeze %dma_wait3A_91 : memref<1x2048xf32, #tpu.memory_space<hbm>> -> memref<2048xf32, #tpu.memory_space<hbm>>
    %dma_wait3A_93 = arith.constant 0 : i32
    %dma_wait3A_94 = tpu.memref_slice %arg4[%add3A_89, %dma_wait3A_93] : memref<8192x2048xf32, #tpu.memory_space<hbm>> -> memref<1x2048xf32, #tpu.memory_space<hbm>>
    %dma_wait3A_95 = tpu.memref_squeeze %dma_wait3A_94 : memref<1x2048xf32, #tpu.memory_space<hbm>> -> memref<2048xf32, #tpu.memory_space<hbm>>
    tpu.wait_dma2 semaphore(%arg25 : memref<!tpu.dma_semaphore, #tpu.memory_space<semaphore_mem>>) src(%arg18 : memref<2048xf32, #tpu.memory_space<vmem>>) dst(%dma_wait3A_95 : memref<2048xf32, #tpu.memory_space<hbm>>)
    %add3A_96 = arith.constant 252 : i32
    %add3A_97 = arith.addi %mul3A_18, %add3A_96 : i32
    %add3A_98 = arith.constant 0 : i32
    %add3A_99 = arith.addi %add3A_97, %add3A_98 : i32
    %dma_wait3A_100 = arith.constant 0 : i32
    %dma_wait3A_101 = tpu.memref_slice %arg4[%add3A_99, %dma_wait3A_100] : memref<8192x2048xf32, #tpu.memory_space<hbm>> -> memref<1x2048xf32, #tpu.memory_space<hbm>>
    %dma_wait3A_102 = tpu.memref_squeeze %dma_wait3A_101 : memref<1x2048xf32, #tpu.memory_space<hbm>> -> memref<2048xf32, #tpu.memory_space<hbm>>
    %dma_wait3A_103 = arith.constant 0 : i32
    %dma_wait3A_104 = tpu.memref_slice %arg4[%add3A_99, %dma_wait3A_103] : memref<8192x2048xf32, #tpu.memory_space<hbm>> -> memref<1x2048xf32, #tpu.memory_space<hbm>>
    %dma_wait3A_105 = tpu.memref_squeeze %dma_wait3A_104 : memref<1x2048xf32, #tpu.memory_space<hbm>> -> memref<2048xf32, #tpu.memory_space<hbm>>
    tpu.wait_dma2 semaphore(%arg26 : memref<!tpu.dma_semaphore, #tpu.memory_space<semaphore_mem>>) src(%arg19 : memref<2048xf32, #tpu.memory_space<vmem>>) dst(%dma_wait3A_105 : memref<2048xf32, #tpu.memory_space<hbm>>)
    %add3A_106 = arith.constant 1 : i32
    %add3A_107 = arith.addi %add3A_97, %add3A_106 : i32
    %dma_wait3A_108 = arith.constant 0 : i32
    %dma_wait3A_109 = tpu.memref_slice %arg4[%add3A_107, %dma_wait3A_108] : memref<8192x2048xf32, #tpu.memory_space<hbm>> -> memref<1x2048xf32, #tpu.memory_space<hbm>>
    %dma_wait3A_110 = tpu.memref_squeeze %dma_wait3A_109 : memref<1x2048xf32, #tpu.memory_space<hbm>> -> memref<2048xf32, #tpu.memory_space<hbm>>
    %dma_wait3A_111 = arith.constant 0 : i32
    %dma_wait3A_112 = tpu.memref_slice %arg4[%add3A_107, %dma_wait3A_111] : memref<8192x2048xf32, #tpu.memory_space<hbm>> -> memref<1x2048xf32, #tpu.memory_space<hbm>>
    %dma_wait3A_113 = tpu.memref_squeeze %dma_wait3A_112 : memref<1x2048xf32, #tpu.memory_space<hbm>> -> memref<2048xf32, #tpu.memory_space<hbm>>
    tpu.wait_dma2 semaphore(%arg26 : memref<!tpu.dma_semaphore, #tpu.memory_space<semaphore_mem>>) src(%arg20 : memref<2048xf32, #tpu.memory_space<vmem>>) dst(%dma_wait3A_113 : memref<2048xf32, #tpu.memory_space<hbm>>)
    %add3A_114 = arith.constant 2 : i32
    %add3A_115 = arith.addi %add3A_97, %add3A_114 : i32
    %dma_wait3A_116 = arith.constant 0 : i32
    %dma_wait3A_117 = tpu.memref_slice %arg4[%add3A_115, %dma_wait3A_116] : memref<8192x2048xf32, #tpu.memory_space<hbm>> -> memref<1x2048xf32, #tpu.memory_space<hbm>>
    %dma_wait3A_118 = tpu.memref_squeeze %dma_wait3A_117 : memref<1x2048xf32, #tpu.memory_space<hbm>> -> memref<2048xf32, #tpu.memory_space<hbm>>
    %dma_wait3A_119 = arith.constant 0 : i32
    %dma_wait3A_120 = tpu.memref_slice %arg4[%add3A_115, %dma_wait3A_119] : memref<8192x2048xf32, #tpu.memory_space<hbm>> -> memref<1x2048xf32, #tpu.memory_space<hbm>>
    %dma_wait3A_121 = tpu.memref_squeeze %dma_wait3A_120 : memref<1x2048xf32, #tpu.memory_space<hbm>> -> memref<2048xf32, #tpu.memory_space<hbm>>
    tpu.wait_dma2 semaphore(%arg26 : memref<!tpu.dma_semaphore, #tpu.memory_space<semaphore_mem>>) src(%arg21 : memref<2048xf32, #tpu.memory_space<vmem>>) dst(%dma_wait3A_121 : memref<2048xf32, #tpu.memory_space<hbm>>)
    %add3A_122 = arith.constant 3 : i32
    %add3A_123 = arith.addi %add3A_97, %add3A_122 : i32
    %dma_wait3A_124 = arith.constant 0 : i32
    %dma_wait3A_125 = tpu.memref_slice %arg4[%add3A_123, %dma_wait3A_124] : memref<8192x2048xf32, #tpu.memory_space<hbm>> -> memref<1x2048xf32, #tpu.memory_space<hbm>>
    %dma_wait3A_126 = tpu.memref_squeeze %dma_wait3A_125 : memref<1x2048xf32, #tpu.memory_space<hbm>> -> memref<2048xf32, #tpu.memory_space<hbm>>
    %dma_wait3A_127 = arith.constant 0 : i32
    %dma_wait3A_128 = tpu.memref_slice %arg4[%add3A_123, %dma_wait3A_127] : memref<8192x2048xf32, #tpu.memory_space<hbm>> -> memref<1x2048xf32, #tpu.memory_space<hbm>>
    %dma_wait3A_129 = tpu.memref_squeeze %dma_wait3A_128 : memref<1x2048xf32, #tpu.memory_space<hbm>> -> memref<2048xf32, #tpu.memory_space<hbm>>
    tpu.wait_dma2 semaphore(%arg26 : memref<!tpu.dma_semaphore, #tpu.memory_space<semaphore_mem>>) src(%arg22 : memref<2048xf32, #tpu.memory_space<vmem>>) dst(%dma_wait3A_129 : memref<2048xf32, #tpu.memory_space<hbm>>)
    return
  }
}

module attributes {stable_mosaic.version = 14 : i64} {
  func.func @_rank_body(%arg0: i32, %arg1: i32, %arg2: memref<1x1x8192xi32, #tpu.memory_space<vmem>>, %arg3: memref<1x128x1xi32, #tpu.memory_space<vmem>>, %arg4: memref<1x128x1xi32, #tpu.memory_space<vmem>>, %arg5: memref<1x128x1xf32, #tpu.memory_space<vmem>>) attributes {dimension_semantics = [#tpu.dimension_semantics<arbitrary>, #tpu.dimension_semantics<arbitrary>], iteration_bounds = array<i64: 4, 64>, scalar_prefetch = 0 : i64, scratch_operands = 0 : i64, tpu.core_type = #tpu.core_type<tc>, window_params = [{transform_indices = @transform_0, window_bounds = array<i64: 1, 1, 8192>}, {transform_indices = @transform_1, window_bounds = array<i64: 1, 128, 1>}, {transform_indices = @transform_2, window_bounds = array<i64: 1, 128, 1>}, {transform_indices = @transform_3, window_bounds = array<i64: 1, 128, 1>}]} {
    %get3A = arith.constant 0 : index
    %get3A_0 = arith.constant 0 : index
    %get3A_1 = arith.constant 0 : index
    %get3A_2 = vector.load %arg3[%get3A, %get3A_0, %get3A_1] : memref<1x128x1xi32, #tpu.memory_space<vmem>>, vector<1x128x1xi32>
    %get3A_3 = vector.shape_cast %get3A_2 : vector<1x128x1xi32> to vector<128x1xi32>
    %broadcast_in_dim3A = vector.shape_cast %get3A_3 : vector<128x1xi32> to vector<128x1xi32>
    %broadcast_in_dim3A_4 = vector.broadcast %broadcast_in_dim3A : vector<128x1xi32> to vector<128x128xi32>
    %broadcast_in_dim3A_5 = arith.constant 0 : i32
    %broadcast_in_dim3A_6 = vector.broadcast %broadcast_in_dim3A_5 : i32 to vector<128x128xi32>
    %jit3A = arith.constant 4 : i32
    %div3A = arith.divsi %arg1, %jit3A : i32
    %sign3A = arith.constant 0 : i32
    %sign3A_7 = arith.cmpi sgt, %arg1, %sign3A : i32
    %sign3A_8 = arith.extui %sign3A_7 : i1 to i32
    %sign3A_9 = arith.constant 0 : i32
    %sign3A_10 = arith.cmpi slt, %arg1, %sign3A_9 : i32
    %sign3A_11 = arith.extui %sign3A_10 : i1 to i32
    %sign3A_12 = arith.subi %sign3A_8, %sign3A_11 : i32
    %sign3A_13 = arith.constant 0 : i32
    %sign3A_14 = arith.cmpi sgt, %jit3A, %sign3A_13 : i32
    %sign3A_15 = arith.extui %sign3A_14 : i1 to i32
    %sign3A_16 = arith.constant 0 : i32
    %sign3A_17 = arith.cmpi slt, %jit3A, %sign3A_16 : i32
    %sign3A_18 = arith.extui %sign3A_17 : i1 to i32
    %sign3A_19 = arith.subi %sign3A_15, %sign3A_18 : i32
    %ne3A = arith.cmpi ne, %sign3A_12, %sign3A_19 : i32
    %rem3A = arith.remsi %arg1, %jit3A : i32
    %ne3A_20 = arith.constant 0 : i32
    %ne3A_21 = arith.cmpi ne, %rem3A, %ne3A_20 : i32
    %and3A = arith.andi %ne3A, %ne3A_21 : i1
    %sub3A = arith.constant 1 : i32
    %sub3A_22 = arith.subi %div3A, %sub3A : i32
    %select_n3A = arith.select %and3A, %sub3A_22, %div3A : i32
    %while3A = arith.constant 0 : i32
    %while3A_23 = arith.subi %select_n3A, %while3A : i32
    %while3A_24 = arith.addi %while3A, %while3A_23 : i32
    %while3A_25 = arith.constant 1 : i32
    %while3A_26 = arith.divsi %while3A_23, %while3A_25 : i32
    %while3A_27 = arith.muli %while3A_26, %while3A_25 : i32
    %while3A_28 = arith.addi %while3A, %while3A_27 : i32
    %while3A_29 = arith.constant 1 : i32
    %while3A_30 = scf.for %while3A_187 = %while3A to %while3A_28 step %while3A_29 iter_args(%while3A_188 = %broadcast_in_dim3A_6) -> (vector<128x128xi32>)  : i32 {
      %mul3A_189 = arith.constant 4 : i32
      %mul3A_190 = arith.muli %while3A_187, %mul3A_189 : i32
      %add3A_191 = arith.constant 0 : i32
      %add3A_192 = arith.addi %mul3A_190, %add3A_191 : i32
      %mul3A_193 = arith.constant 128 : i32
      %mul3A_194 = arith.muli %add3A_192, %mul3A_193 : i32
      %get3A_195 = arith.constant 0 : index
      %get3A_196 = arith.constant 0 : index
      %get3A_197 = arith.index_cast %mul3A_194 : i32 to index
      %get3A_198 = vector.load %arg2[%get3A_195, %get3A_196, %get3A_197] : memref<1x1x8192xi32, #tpu.memory_space<vmem>>, vector<1x1x128xi32>
      %get3A_199 = vector.shape_cast %get3A_198 : vector<1x1x128xi32> to vector<1x128xi32>
      %sub3A_200 = vector.broadcast %get3A_199 : vector<1x128xi32> to vector<128x128xi32>
      %sub3A_201 = arith.subi %broadcast_in_dim3A_4, %sub3A_200 : vector<128x128xi32>
      %shift_right_arithmetic3A_202 = arith.constant 31 : i32
      %shift_right_arithmetic3A_203 = vector.broadcast %shift_right_arithmetic3A_202 : i32 to vector<128x128xi32>
      %shift_right_arithmetic3A_204 = arith.shrsi %sub3A_201, %shift_right_arithmetic3A_203 : vector<128x128xi32>
      %add3A_205 = arith.addi %while3A_188, %shift_right_arithmetic3A_204 : vector<128x128xi32>
      %mul3A_206 = arith.constant 4 : i32
      %mul3A_207 = arith.muli %while3A_187, %mul3A_206 : i32
      %add3A_208 = arith.constant 1 : i32
      %add3A_209 = arith.addi %mul3A_207, %add3A_208 : i32
      %mul3A_210 = arith.constant 128 : i32
      %mul3A_211 = arith.muli %add3A_209, %mul3A_210 : i32
      %get3A_212 = arith.constant 0 : index
      %get3A_213 = arith.constant 0 : index
      %get3A_214 = arith.index_cast %mul3A_211 : i32 to index
      %get3A_215 = vector.load %arg2[%get3A_212, %get3A_213, %get3A_214] : memref<1x1x8192xi32, #tpu.memory_space<vmem>>, vector<1x1x128xi32>
      %get3A_216 = vector.shape_cast %get3A_215 : vector<1x1x128xi32> to vector<1x128xi32>
      %sub3A_217 = vector.broadcast %get3A_216 : vector<1x128xi32> to vector<128x128xi32>
      %sub3A_218 = arith.subi %broadcast_in_dim3A_4, %sub3A_217 : vector<128x128xi32>
      %shift_right_arithmetic3A_219 = arith.constant 31 : i32
      %shift_right_arithmetic3A_220 = vector.broadcast %shift_right_arithmetic3A_219 : i32 to vector<128x128xi32>
      %shift_right_arithmetic3A_221 = arith.shrsi %sub3A_218, %shift_right_arithmetic3A_220 : vector<128x128xi32>
      %add3A_222 = arith.addi %add3A_205, %shift_right_arithmetic3A_221 : vector<128x128xi32>
      %mul3A_223 = arith.constant 4 : i32
      %mul3A_224 = arith.muli %while3A_187, %mul3A_223 : i32
      %add3A_225 = arith.constant 2 : i32
      %add3A_226 = arith.addi %mul3A_224, %add3A_225 : i32
      %mul3A_227 = arith.constant 128 : i32
      %mul3A_228 = arith.muli %add3A_226, %mul3A_227 : i32
      %get3A_229 = arith.constant 0 : index
      %get3A_230 = arith.constant 0 : index
      %get3A_231 = arith.index_cast %mul3A_228 : i32 to index
      %get3A_232 = vector.load %arg2[%get3A_229, %get3A_230, %get3A_231] : memref<1x1x8192xi32, #tpu.memory_space<vmem>>, vector<1x1x128xi32>
      %get3A_233 = vector.shape_cast %get3A_232 : vector<1x1x128xi32> to vector<1x128xi32>
      %sub3A_234 = vector.broadcast %get3A_233 : vector<1x128xi32> to vector<128x128xi32>
      %sub3A_235 = arith.subi %broadcast_in_dim3A_4, %sub3A_234 : vector<128x128xi32>
      %shift_right_arithmetic3A_236 = arith.constant 31 : i32
      %shift_right_arithmetic3A_237 = vector.broadcast %shift_right_arithmetic3A_236 : i32 to vector<128x128xi32>
      %shift_right_arithmetic3A_238 = arith.shrsi %sub3A_235, %shift_right_arithmetic3A_237 : vector<128x128xi32>
      %add3A_239 = arith.addi %add3A_222, %shift_right_arithmetic3A_238 : vector<128x128xi32>
      %mul3A_240 = arith.constant 4 : i32
      %mul3A_241 = arith.muli %while3A_187, %mul3A_240 : i32
      %add3A_242 = arith.constant 3 : i32
      %add3A_243 = arith.addi %mul3A_241, %add3A_242 : i32
      %mul3A_244 = arith.constant 128 : i32
      %mul3A_245 = arith.muli %add3A_243, %mul3A_244 : i32
      %get3A_246 = arith.constant 0 : index
      %get3A_247 = arith.constant 0 : index
      %get3A_248 = arith.index_cast %mul3A_245 : i32 to index
      %get3A_249 = vector.load %arg2[%get3A_246, %get3A_247, %get3A_248] : memref<1x1x8192xi32, #tpu.memory_space<vmem>>, vector<1x1x128xi32>
      %get3A_250 = vector.shape_cast %get3A_249 : vector<1x1x128xi32> to vector<1x128xi32>
      %sub3A_251 = vector.broadcast %get3A_250 : vector<1x128xi32> to vector<128x128xi32>
      %sub3A_252 = arith.subi %broadcast_in_dim3A_4, %sub3A_251 : vector<128x128xi32>
      %shift_right_arithmetic3A_253 = arith.constant 31 : i32
      %shift_right_arithmetic3A_254 = vector.broadcast %shift_right_arithmetic3A_253 : i32 to vector<128x128xi32>
      %shift_right_arithmetic3A_255 = arith.shrsi %sub3A_252, %shift_right_arithmetic3A_254 : vector<128x128xi32>
      %add3A_256 = arith.addi %add3A_239, %shift_right_arithmetic3A_255 : vector<128x128xi32>
      scf.yield %add3A_256 : vector<128x128xi32>
    }
    %while3A_31 = arith.constant 1 : i32
    %while3A_32 = scf.for %while3A_187 = %while3A_28 to %while3A_24 step %while3A_31 iter_args(%while3A_188 = %while3A_30) -> (vector<128x128xi32>)  : i32 {
      %mul3A_189 = arith.constant 4 : i32
      %mul3A_190 = arith.muli %while3A_187, %mul3A_189 : i32
      %add3A_191 = arith.constant 0 : i32
      %add3A_192 = arith.addi %mul3A_190, %add3A_191 : i32
      %mul3A_193 = arith.constant 128 : i32
      %mul3A_194 = arith.muli %add3A_192, %mul3A_193 : i32
      %get3A_195 = arith.constant 0 : index
      %get3A_196 = arith.constant 0 : index
      %get3A_197 = arith.index_cast %mul3A_194 : i32 to index
      %get3A_198 = vector.load %arg2[%get3A_195, %get3A_196, %get3A_197] : memref<1x1x8192xi32, #tpu.memory_space<vmem>>, vector<1x1x128xi32>
      %get3A_199 = vector.shape_cast %get3A_198 : vector<1x1x128xi32> to vector<1x128xi32>
      %sub3A_200 = vector.broadcast %get3A_199 : vector<1x128xi32> to vector<128x128xi32>
      %sub3A_201 = arith.subi %broadcast_in_dim3A_4, %sub3A_200 : vector<128x128xi32>
      %shift_right_arithmetic3A_202 = arith.constant 31 : i32
      %shift_right_arithmetic3A_203 = vector.broadcast %shift_right_arithmetic3A_202 : i32 to vector<128x128xi32>
      %shift_right_arithmetic3A_204 = arith.shrsi %sub3A_201, %shift_right_arithmetic3A_203 : vector<128x128xi32>
      %add3A_205 = arith.addi %while3A_188, %shift_right_arithmetic3A_204 : vector<128x128xi32>
      %mul3A_206 = arith.constant 4 : i32
      %mul3A_207 = arith.muli %while3A_187, %mul3A_206 : i32
      %add3A_208 = arith.constant 1 : i32
      %add3A_209 = arith.addi %mul3A_207, %add3A_208 : i32
      %mul3A_210 = arith.constant 128 : i32
      %mul3A_211 = arith.muli %add3A_209, %mul3A_210 : i32
      %get3A_212 = arith.constant 0 : index
      %get3A_213 = arith.constant 0 : index
      %get3A_214 = arith.index_cast %mul3A_211 : i32 to index
      %get3A_215 = vector.load %arg2[%get3A_212, %get3A_213, %get3A_214] : memref<1x1x8192xi32, #tpu.memory_space<vmem>>, vector<1x1x128xi32>
      %get3A_216 = vector.shape_cast %get3A_215 : vector<1x1x128xi32> to vector<1x128xi32>
      %sub3A_217 = vector.broadcast %get3A_216 : vector<1x128xi32> to vector<128x128xi32>
      %sub3A_218 = arith.subi %broadcast_in_dim3A_4, %sub3A_217 : vector<128x128xi32>
      %shift_right_arithmetic3A_219 = arith.constant 31 : i32
      %shift_right_arithmetic3A_220 = vector.broadcast %shift_right_arithmetic3A_219 : i32 to vector<128x128xi32>
      %shift_right_arithmetic3A_221 = arith.shrsi %sub3A_218, %shift_right_arithmetic3A_220 : vector<128x128xi32>
      %add3A_222 = arith.addi %add3A_205, %shift_right_arithmetic3A_221 : vector<128x128xi32>
      %mul3A_223 = arith.constant 4 : i32
      %mul3A_224 = arith.muli %while3A_187, %mul3A_223 : i32
      %add3A_225 = arith.constant 2 : i32
      %add3A_226 = arith.addi %mul3A_224, %add3A_225 : i32
      %mul3A_227 = arith.constant 128 : i32
      %mul3A_228 = arith.muli %add3A_226, %mul3A_227 : i32
      %get3A_229 = arith.constant 0 : index
      %get3A_230 = arith.constant 0 : index
      %get3A_231 = arith.index_cast %mul3A_228 : i32 to index
      %get3A_232 = vector.load %arg2[%get3A_229, %get3A_230, %get3A_231] : memref<1x1x8192xi32, #tpu.memory_space<vmem>>, vector<1x1x128xi32>
      %get3A_233 = vector.shape_cast %get3A_232 : vector<1x1x128xi32> to vector<1x128xi32>
      %sub3A_234 = vector.broadcast %get3A_233 : vector<1x128xi32> to vector<128x128xi32>
      %sub3A_235 = arith.subi %broadcast_in_dim3A_4, %sub3A_234 : vector<128x128xi32>
      %shift_right_arithmetic3A_236 = arith.constant 31 : i32
      %shift_right_arithmetic3A_237 = vector.broadcast %shift_right_arithmetic3A_236 : i32 to vector<128x128xi32>
      %shift_right_arithmetic3A_238 = arith.shrsi %sub3A_235, %shift_right_arithmetic3A_237 : vector<128x128xi32>
      %add3A_239 = arith.addi %add3A_222, %shift_right_arithmetic3A_238 : vector<128x128xi32>
      %mul3A_240 = arith.constant 4 : i32
      %mul3A_241 = arith.muli %while3A_187, %mul3A_240 : i32
      %add3A_242 = arith.constant 3 : i32
      %add3A_243 = arith.addi %mul3A_241, %add3A_242 : i32
      %mul3A_244 = arith.constant 128 : i32
      %mul3A_245 = arith.muli %add3A_243, %mul3A_244 : i32
      %get3A_246 = arith.constant 0 : index
      %get3A_247 = arith.constant 0 : index
      %get3A_248 = arith.index_cast %mul3A_245 : i32 to index
      %get3A_249 = vector.load %arg2[%get3A_246, %get3A_247, %get3A_248] : memref<1x1x8192xi32, #tpu.memory_space<vmem>>, vector<1x1x128xi32>
      %get3A_250 = vector.shape_cast %get3A_249 : vector<1x1x128xi32> to vector<1x128xi32>
      %sub3A_251 = vector.broadcast %get3A_250 : vector<1x128xi32> to vector<128x128xi32>
      %sub3A_252 = arith.subi %broadcast_in_dim3A_4, %sub3A_251 : vector<128x128xi32>
      %shift_right_arithmetic3A_253 = arith.constant 31 : i32
      %shift_right_arithmetic3A_254 = vector.broadcast %shift_right_arithmetic3A_253 : i32 to vector<128x128xi32>
      %shift_right_arithmetic3A_255 = arith.shrsi %sub3A_252, %shift_right_arithmetic3A_254 : vector<128x128xi32>
      %add3A_256 = arith.addi %add3A_239, %shift_right_arithmetic3A_255 : vector<128x128xi32>
      scf.yield %add3A_256 : vector<128x128xi32>
    }
    %jit3A_33 = arith.constant 4 : i32
    %div3A_34 = arith.divsi %arg1, %jit3A_33 : i32
    %sign3A_35 = arith.constant 0 : i32
    %sign3A_36 = arith.cmpi sgt, %arg1, %sign3A_35 : i32
    %sign3A_37 = arith.extui %sign3A_36 : i1 to i32
    %sign3A_38 = arith.constant 0 : i32
    %sign3A_39 = arith.cmpi slt, %arg1, %sign3A_38 : i32
    %sign3A_40 = arith.extui %sign3A_39 : i1 to i32
    %sign3A_41 = arith.subi %sign3A_37, %sign3A_40 : i32
    %sign3A_42 = arith.constant 0 : i32
    %sign3A_43 = arith.cmpi sgt, %jit3A_33, %sign3A_42 : i32
    %sign3A_44 = arith.extui %sign3A_43 : i1 to i32
    %sign3A_45 = arith.constant 0 : i32
    %sign3A_46 = arith.cmpi slt, %jit3A_33, %sign3A_45 : i32
    %sign3A_47 = arith.extui %sign3A_46 : i1 to i32
    %sign3A_48 = arith.subi %sign3A_44, %sign3A_47 : i32
    %ne3A_49 = arith.cmpi ne, %sign3A_41, %sign3A_48 : i32
    %rem3A_50 = arith.remsi %arg1, %jit3A_33 : i32
    %ne3A_51 = arith.constant 0 : i32
    %ne3A_52 = arith.cmpi ne, %rem3A_50, %ne3A_51 : i32
    %and3A_53 = arith.andi %ne3A_49, %ne3A_52 : i1
    %sub3A_54 = arith.constant 1 : i32
    %sub3A_55 = arith.subi %div3A_34, %sub3A_54 : i32
    %select_n3A_56 = arith.select %and3A_53, %sub3A_55, %div3A_34 : i32
    %mul3A = arith.constant 4 : i32
    %mul3A_57 = arith.muli %select_n3A_56, %mul3A : i32
    %while3A_58 = arith.subi %arg1, %mul3A_57 : i32
    %while3A_59 = arith.addi %mul3A_57, %while3A_58 : i32
    %while3A_60 = arith.constant 1 : i32
    %while3A_61 = arith.divsi %while3A_58, %while3A_60 : i32
    %while3A_62 = arith.muli %while3A_61, %while3A_60 : i32
    %while3A_63 = arith.addi %mul3A_57, %while3A_62 : i32
    %while3A_64 = arith.constant 1 : i32
    %while3A_65 = scf.for %while3A_187 = %mul3A_57 to %while3A_63 step %while3A_64 iter_args(%while3A_188 = %while3A_32) -> (vector<128x128xi32>)  : i32 {
      %mul3A_189 = arith.constant 128 : i32
      %mul3A_190 = arith.muli %while3A_187, %mul3A_189 : i32
      %get3A_191 = arith.constant 0 : index
      %get3A_192 = arith.constant 0 : index
      %get3A_193 = arith.index_cast %mul3A_190 : i32 to index
      %get3A_194 = vector.load %arg2[%get3A_191, %get3A_192, %get3A_193] : memref<1x1x8192xi32, #tpu.memory_space<vmem>>, vector<1x1x128xi32>
      %get3A_195 = vector.shape_cast %get3A_194 : vector<1x1x128xi32> to vector<1x128xi32>
      %sub3A_196 = vector.broadcast %get3A_195 : vector<1x128xi32> to vector<128x128xi32>
      %sub3A_197 = arith.subi %broadcast_in_dim3A_4, %sub3A_196 : vector<128x128xi32>
      %shift_right_arithmetic3A_198 = arith.constant 31 : i32
      %shift_right_arithmetic3A_199 = vector.broadcast %shift_right_arithmetic3A_198 : i32 to vector<128x128xi32>
      %shift_right_arithmetic3A_200 = arith.shrsi %sub3A_197, %shift_right_arithmetic3A_199 : vector<128x128xi32>
      %add3A_201 = arith.addi %while3A_188, %shift_right_arithmetic3A_200 : vector<128x128xi32>
      scf.yield %add3A_201 : vector<128x128xi32>
    }
    %while3A_66 = arith.constant 1 : i32
    %while3A_67 = scf.for %while3A_187 = %while3A_63 to %while3A_59 step %while3A_66 iter_args(%while3A_188 = %while3A_65) -> (vector<128x128xi32>)  : i32 {
      %mul3A_189 = arith.constant 128 : i32
      %mul3A_190 = arith.muli %while3A_187, %mul3A_189 : i32
      %get3A_191 = arith.constant 0 : index
      %get3A_192 = arith.constant 0 : index
      %get3A_193 = arith.index_cast %mul3A_190 : i32 to index
      %get3A_194 = vector.load %arg2[%get3A_191, %get3A_192, %get3A_193] : memref<1x1x8192xi32, #tpu.memory_space<vmem>>, vector<1x1x128xi32>
      %get3A_195 = vector.shape_cast %get3A_194 : vector<1x1x128xi32> to vector<1x128xi32>
      %sub3A_196 = vector.broadcast %get3A_195 : vector<1x128xi32> to vector<128x128xi32>
      %sub3A_197 = arith.subi %broadcast_in_dim3A_4, %sub3A_196 : vector<128x128xi32>
      %shift_right_arithmetic3A_198 = arith.constant 31 : i32
      %shift_right_arithmetic3A_199 = vector.broadcast %shift_right_arithmetic3A_198 : i32 to vector<128x128xi32>
      %shift_right_arithmetic3A_200 = arith.shrsi %sub3A_197, %shift_right_arithmetic3A_199 : vector<128x128xi32>
      %add3A_201 = arith.addi %while3A_188, %shift_right_arithmetic3A_200 : vector<128x128xi32>
      scf.yield %add3A_201 : vector<128x128xi32>
    }
    %sub3A_68 = arith.constant 64 : i32
    %sub3A_69 = arith.subi %sub3A_68, %arg1 : i32
    %sub3A_70 = arith.constant 1 : i32
    %sub3A_71 = arith.subi %sub3A_69, %sub3A_70 : i32
    %jit3A_72 = arith.constant 4 : i32
    %div3A_73 = arith.divsi %sub3A_71, %jit3A_72 : i32
    %sign3A_74 = arith.constant 0 : i32
    %sign3A_75 = arith.cmpi sgt, %sub3A_71, %sign3A_74 : i32
    %sign3A_76 = arith.extui %sign3A_75 : i1 to i32
    %sign3A_77 = arith.constant 0 : i32
    %sign3A_78 = arith.cmpi slt, %sub3A_71, %sign3A_77 : i32
    %sign3A_79 = arith.extui %sign3A_78 : i1 to i32
    %sign3A_80 = arith.subi %sign3A_76, %sign3A_79 : i32
    %sign3A_81 = arith.constant 0 : i32
    %sign3A_82 = arith.cmpi sgt, %jit3A_72, %sign3A_81 : i32
    %sign3A_83 = arith.extui %sign3A_82 : i1 to i32
    %sign3A_84 = arith.constant 0 : i32
    %sign3A_85 = arith.cmpi slt, %jit3A_72, %sign3A_84 : i32
    %sign3A_86 = arith.extui %sign3A_85 : i1 to i32
    %sign3A_87 = arith.subi %sign3A_83, %sign3A_86 : i32
    %ne3A_88 = arith.cmpi ne, %sign3A_80, %sign3A_87 : i32
    %rem3A_89 = arith.remsi %sub3A_71, %jit3A_72 : i32
    %ne3A_90 = arith.constant 0 : i32
    %ne3A_91 = arith.cmpi ne, %rem3A_89, %ne3A_90 : i32
    %and3A_92 = arith.andi %ne3A_88, %ne3A_91 : i1
    %sub3A_93 = arith.constant 1 : i32
    %sub3A_94 = arith.subi %div3A_73, %sub3A_93 : i32
    %select_n3A_95 = arith.select %and3A_92, %sub3A_94, %div3A_73 : i32
    %while3A_96 = arith.constant 0 : i32
    %while3A_97 = arith.subi %select_n3A_95, %while3A_96 : i32
    %while3A_98 = arith.addi %while3A_96, %while3A_97 : i32
    %while3A_99 = arith.constant 1 : i32
    %while3A_100 = arith.divsi %while3A_97, %while3A_99 : i32
    %while3A_101 = arith.muli %while3A_100, %while3A_99 : i32
    %while3A_102 = arith.addi %while3A_96, %while3A_101 : i32
    %while3A_103 = arith.constant 1 : i32
    %while3A_104 = scf.for %while3A_187 = %while3A_96 to %while3A_102 step %while3A_103 iter_args(%while3A_188 = %while3A_67) -> (vector<128x128xi32>)  : i32 {
      %add3A_189 = arith.constant 1 : i32
      %add3A_190 = arith.addi %arg1, %add3A_189 : i32
      %mul3A_191 = arith.constant 4 : i32
      %mul3A_192 = arith.muli %while3A_187, %mul3A_191 : i32
      %add3A_193 = arith.addi %add3A_190, %mul3A_192 : i32
      %add3A_194 = arith.constant 0 : i32
      %add3A_195 = arith.addi %add3A_193, %add3A_194 : i32
      %mul3A_196 = arith.constant 128 : i32
      %mul3A_197 = arith.muli %add3A_195, %mul3A_196 : i32
      %get3A_198 = arith.constant 0 : index
      %get3A_199 = arith.constant 0 : index
      %get3A_200 = arith.index_cast %mul3A_197 : i32 to index
      %get3A_201 = vector.load %arg2[%get3A_198, %get3A_199, %get3A_200] : memref<1x1x8192xi32, #tpu.memory_space<vmem>>, vector<1x1x128xi32>
      %get3A_202 = vector.shape_cast %get3A_201 : vector<1x1x128xi32> to vector<1x128xi32>
      %sub3A_203 = vector.broadcast %get3A_202 : vector<1x128xi32> to vector<128x128xi32>
      %sub3A_204 = arith.subi %sub3A_203, %broadcast_in_dim3A_4 : vector<128x128xi32>
      %shift_right_arithmetic3A_205 = arith.constant 31 : i32
      %shift_right_arithmetic3A_206 = vector.broadcast %shift_right_arithmetic3A_205 : i32 to vector<128x128xi32>
      %shift_right_arithmetic3A_207 = arith.shrsi %sub3A_204, %shift_right_arithmetic3A_206 : vector<128x128xi32>
      %sub3A_208 = arith.subi %while3A_188, %shift_right_arithmetic3A_207 : vector<128x128xi32>
      %add3A_209 = arith.constant 1 : i32
      %add3A_210 = arith.addi %arg1, %add3A_209 : i32
      %mul3A_211 = arith.constant 4 : i32
      %mul3A_212 = arith.muli %while3A_187, %mul3A_211 : i32
      %add3A_213 = arith.addi %add3A_210, %mul3A_212 : i32
      %add3A_214 = arith.constant 1 : i32
      %add3A_215 = arith.addi %add3A_213, %add3A_214 : i32
      %mul3A_216 = arith.constant 128 : i32
      %mul3A_217 = arith.muli %add3A_215, %mul3A_216 : i32
      %get3A_218 = arith.constant 0 : index
      %get3A_219 = arith.constant 0 : index
      %get3A_220 = arith.index_cast %mul3A_217 : i32 to index
      %get3A_221 = vector.load %arg2[%get3A_218, %get3A_219, %get3A_220] : memref<1x1x8192xi32, #tpu.memory_space<vmem>>, vector<1x1x128xi32>
      %get3A_222 = vector.shape_cast %get3A_221 : vector<1x1x128xi32> to vector<1x128xi32>
      %sub3A_223 = vector.broadcast %get3A_222 : vector<1x128xi32> to vector<128x128xi32>
      %sub3A_224 = arith.subi %sub3A_223, %broadcast_in_dim3A_4 : vector<128x128xi32>
      %shift_right_arithmetic3A_225 = arith.constant 31 : i32
      %shift_right_arithmetic3A_226 = vector.broadcast %shift_right_arithmetic3A_225 : i32 to vector<128x128xi32>
      %shift_right_arithmetic3A_227 = arith.shrsi %sub3A_224, %shift_right_arithmetic3A_226 : vector<128x128xi32>
      %sub3A_228 = arith.subi %sub3A_208, %shift_right_arithmetic3A_227 : vector<128x128xi32>
      %add3A_229 = arith.constant 1 : i32
      %add3A_230 = arith.addi %arg1, %add3A_229 : i32
      %mul3A_231 = arith.constant 4 : i32
      %mul3A_232 = arith.muli %while3A_187, %mul3A_231 : i32
      %add3A_233 = arith.addi %add3A_230, %mul3A_232 : i32
      %add3A_234 = arith.constant 2 : i32
      %add3A_235 = arith.addi %add3A_233, %add3A_234 : i32
      %mul3A_236 = arith.constant 128 : i32
      %mul3A_237 = arith.muli %add3A_235, %mul3A_236 : i32
      %get3A_238 = arith.constant 0 : index
      %get3A_239 = arith.constant 0 : index
      %get3A_240 = arith.index_cast %mul3A_237 : i32 to index
      %get3A_241 = vector.load %arg2[%get3A_238, %get3A_239, %get3A_240] : memref<1x1x8192xi32, #tpu.memory_space<vmem>>, vector<1x1x128xi32>
      %get3A_242 = vector.shape_cast %get3A_241 : vector<1x1x128xi32> to vector<1x128xi32>
      %sub3A_243 = vector.broadcast %get3A_242 : vector<1x128xi32> to vector<128x128xi32>
      %sub3A_244 = arith.subi %sub3A_243, %broadcast_in_dim3A_4 : vector<128x128xi32>
      %shift_right_arithmetic3A_245 = arith.constant 31 : i32
      %shift_right_arithmetic3A_246 = vector.broadcast %shift_right_arithmetic3A_245 : i32 to vector<128x128xi32>
      %shift_right_arithmetic3A_247 = arith.shrsi %sub3A_244, %shift_right_arithmetic3A_246 : vector<128x128xi32>
      %sub3A_248 = arith.subi %sub3A_228, %shift_right_arithmetic3A_247 : vector<128x128xi32>
      %add3A_249 = arith.constant 1 : i32
      %add3A_250 = arith.addi %arg1, %add3A_249 : i32
      %mul3A_251 = arith.constant 4 : i32
      %mul3A_252 = arith.muli %while3A_187, %mul3A_251 : i32
      %add3A_253 = arith.addi %add3A_250, %mul3A_252 : i32
      %add3A_254 = arith.constant 3 : i32
      %add3A_255 = arith.addi %add3A_253, %add3A_254 : i32
      %mul3A_256 = arith.constant 128 : i32
      %mul3A_257 = arith.muli %add3A_255, %mul3A_256 : i32
      %get3A_258 = arith.constant 0 : index
      %get3A_259 = arith.constant 0 : index
      %get3A_260 = arith.index_cast %mul3A_257 : i32 to index
      %get3A_261 = vector.load %arg2[%get3A_258, %get3A_259, %get3A_260] : memref<1x1x8192xi32, #tpu.memory_space<vmem>>, vector<1x1x128xi32>
      %get3A_262 = vector.shape_cast %get3A_261 : vector<1x1x128xi32> to vector<1x128xi32>
      %sub3A_263 = vector.broadcast %get3A_262 : vector<1x128xi32> to vector<128x128xi32>
      %sub3A_264 = arith.subi %sub3A_263, %broadcast_in_dim3A_4 : vector<128x128xi32>
      %shift_right_arithmetic3A_265 = arith.constant 31 : i32
      %shift_right_arithmetic3A_266 = vector.broadcast %shift_right_arithmetic3A_265 : i32 to vector<128x128xi32>
      %shift_right_arithmetic3A_267 = arith.shrsi %sub3A_264, %shift_right_arithmetic3A_266 : vector<128x128xi32>
      %sub3A_268 = arith.subi %sub3A_248, %shift_right_arithmetic3A_267 : vector<128x128xi32>
      scf.yield %sub3A_268 : vector<128x128xi32>
    }
    %while3A_105 = arith.constant 1 : i32
    %while3A_106 = scf.for %while3A_187 = %while3A_102 to %while3A_98 step %while3A_105 iter_args(%while3A_188 = %while3A_104) -> (vector<128x128xi32>)  : i32 {
      %add3A_189 = arith.constant 1 : i32
      %add3A_190 = arith.addi %arg1, %add3A_189 : i32
      %mul3A_191 = arith.constant 4 : i32
      %mul3A_192 = arith.muli %while3A_187, %mul3A_191 : i32
      %add3A_193 = arith.addi %add3A_190, %mul3A_192 : i32
      %add3A_194 = arith.constant 0 : i32
      %add3A_195 = arith.addi %add3A_193, %add3A_194 : i32
      %mul3A_196 = arith.constant 128 : i32
      %mul3A_197 = arith.muli %add3A_195, %mul3A_196 : i32
      %get3A_198 = arith.constant 0 : index
      %get3A_199 = arith.constant 0 : index
      %get3A_200 = arith.index_cast %mul3A_197 : i32 to index
      %get3A_201 = vector.load %arg2[%get3A_198, %get3A_199, %get3A_200] : memref<1x1x8192xi32, #tpu.memory_space<vmem>>, vector<1x1x128xi32>
      %get3A_202 = vector.shape_cast %get3A_201 : vector<1x1x128xi32> to vector<1x128xi32>
      %sub3A_203 = vector.broadcast %get3A_202 : vector<1x128xi32> to vector<128x128xi32>
      %sub3A_204 = arith.subi %sub3A_203, %broadcast_in_dim3A_4 : vector<128x128xi32>
      %shift_right_arithmetic3A_205 = arith.constant 31 : i32
      %shift_right_arithmetic3A_206 = vector.broadcast %shift_right_arithmetic3A_205 : i32 to vector<128x128xi32>
      %shift_right_arithmetic3A_207 = arith.shrsi %sub3A_204, %shift_right_arithmetic3A_206 : vector<128x128xi32>
      %sub3A_208 = arith.subi %while3A_188, %shift_right_arithmetic3A_207 : vector<128x128xi32>
      %add3A_209 = arith.constant 1 : i32
      %add3A_210 = arith.addi %arg1, %add3A_209 : i32
      %mul3A_211 = arith.constant 4 : i32
      %mul3A_212 = arith.muli %while3A_187, %mul3A_211 : i32
      %add3A_213 = arith.addi %add3A_210, %mul3A_212 : i32
      %add3A_214 = arith.constant 1 : i32
      %add3A_215 = arith.addi %add3A_213, %add3A_214 : i32
      %mul3A_216 = arith.constant 128 : i32
      %mul3A_217 = arith.muli %add3A_215, %mul3A_216 : i32
      %get3A_218 = arith.constant 0 : index
      %get3A_219 = arith.constant 0 : index
      %get3A_220 = arith.index_cast %mul3A_217 : i32 to index
      %get3A_221 = vector.load %arg2[%get3A_218, %get3A_219, %get3A_220] : memref<1x1x8192xi32, #tpu.memory_space<vmem>>, vector<1x1x128xi32>
      %get3A_222 = vector.shape_cast %get3A_221 : vector<1x1x128xi32> to vector<1x128xi32>
      %sub3A_223 = vector.broadcast %get3A_222 : vector<1x128xi32> to vector<128x128xi32>
      %sub3A_224 = arith.subi %sub3A_223, %broadcast_in_dim3A_4 : vector<128x128xi32>
      %shift_right_arithmetic3A_225 = arith.constant 31 : i32
      %shift_right_arithmetic3A_226 = vector.broadcast %shift_right_arithmetic3A_225 : i32 to vector<128x128xi32>
      %shift_right_arithmetic3A_227 = arith.shrsi %sub3A_224, %shift_right_arithmetic3A_226 : vector<128x128xi32>
      %sub3A_228 = arith.subi %sub3A_208, %shift_right_arithmetic3A_227 : vector<128x128xi32>
      %add3A_229 = arith.constant 1 : i32
      %add3A_230 = arith.addi %arg1, %add3A_229 : i32
      %mul3A_231 = arith.constant 4 : i32
      %mul3A_232 = arith.muli %while3A_187, %mul3A_231 : i32
      %add3A_233 = arith.addi %add3A_230, %mul3A_232 : i32
      %add3A_234 = arith.constant 2 : i32
      %add3A_235 = arith.addi %add3A_233, %add3A_234 : i32
      %mul3A_236 = arith.constant 128 : i32
      %mul3A_237 = arith.muli %add3A_235, %mul3A_236 : i32
      %get3A_238 = arith.constant 0 : index
      %get3A_239 = arith.constant 0 : index
      %get3A_240 = arith.index_cast %mul3A_237 : i32 to index
      %get3A_241 = vector.load %arg2[%get3A_238, %get3A_239, %get3A_240] : memref<1x1x8192xi32, #tpu.memory_space<vmem>>, vector<1x1x128xi32>
      %get3A_242 = vector.shape_cast %get3A_241 : vector<1x1x128xi32> to vector<1x128xi32>
      %sub3A_243 = vector.broadcast %get3A_242 : vector<1x128xi32> to vector<128x128xi32>
      %sub3A_244 = arith.subi %sub3A_243, %broadcast_in_dim3A_4 : vector<128x128xi32>
      %shift_right_arithmetic3A_245 = arith.constant 31 : i32
      %shift_right_arithmetic3A_246 = vector.broadcast %shift_right_arithmetic3A_245 : i32 to vector<128x128xi32>
      %shift_right_arithmetic3A_247 = arith.shrsi %sub3A_244, %shift_right_arithmetic3A_246 : vector<128x128xi32>
      %sub3A_248 = arith.subi %sub3A_228, %shift_right_arithmetic3A_247 : vector<128x128xi32>
      %add3A_249 = arith.constant 1 : i32
      %add3A_250 = arith.addi %arg1, %add3A_249 : i32
      %mul3A_251 = arith.constant 4 : i32
      %mul3A_252 = arith.muli %while3A_187, %mul3A_251 : i32
      %add3A_253 = arith.addi %add3A_250, %mul3A_252 : i32
      %add3A_254 = arith.constant 3 : i32
      %add3A_255 = arith.addi %add3A_253, %add3A_254 : i32
      %mul3A_256 = arith.constant 128 : i32
      %mul3A_257 = arith.muli %add3A_255, %mul3A_256 : i32
      %get3A_258 = arith.constant 0 : index
      %get3A_259 = arith.constant 0 : index
      %get3A_260 = arith.index_cast %mul3A_257 : i32 to index
      %get3A_261 = vector.load %arg2[%get3A_258, %get3A_259, %get3A_260] : memref<1x1x8192xi32, #tpu.memory_space<vmem>>, vector<1x1x128xi32>
      %get3A_262 = vector.shape_cast %get3A_261 : vector<1x1x128xi32> to vector<1x128xi32>
      %sub3A_263 = vector.broadcast %get3A_262 : vector<1x128xi32> to vector<128x128xi32>
      %sub3A_264 = arith.subi %sub3A_263, %broadcast_in_dim3A_4 : vector<128x128xi32>
      %shift_right_arithmetic3A_265 = arith.constant 31 : i32
      %shift_right_arithmetic3A_266 = vector.broadcast %shift_right_arithmetic3A_265 : i32 to vector<128x128xi32>
      %shift_right_arithmetic3A_267 = arith.shrsi %sub3A_264, %shift_right_arithmetic3A_266 : vector<128x128xi32>
      %sub3A_268 = arith.subi %sub3A_248, %shift_right_arithmetic3A_267 : vector<128x128xi32>
      scf.yield %sub3A_268 : vector<128x128xi32>
    }
    %add3A = arith.constant 1 : i32
    %add3A_107 = arith.addi %arg1, %add3A : i32
    %jit3A_108 = arith.constant 4 : i32
    %div3A_109 = arith.divsi %sub3A_71, %jit3A_108 : i32
    %sign3A_110 = arith.constant 0 : i32
    %sign3A_111 = arith.cmpi sgt, %sub3A_71, %sign3A_110 : i32
    %sign3A_112 = arith.extui %sign3A_111 : i1 to i32
    %sign3A_113 = arith.constant 0 : i32
    %sign3A_114 = arith.cmpi slt, %sub3A_71, %sign3A_113 : i32
    %sign3A_115 = arith.extui %sign3A_114 : i1 to i32
    %sign3A_116 = arith.subi %sign3A_112, %sign3A_115 : i32
    %sign3A_117 = arith.constant 0 : i32
    %sign3A_118 = arith.cmpi sgt, %jit3A_108, %sign3A_117 : i32
    %sign3A_119 = arith.extui %sign3A_118 : i1 to i32
    %sign3A_120 = arith.constant 0 : i32
    %sign3A_121 = arith.cmpi slt, %jit3A_108, %sign3A_120 : i32
    %sign3A_122 = arith.extui %sign3A_121 : i1 to i32
    %sign3A_123 = arith.subi %sign3A_119, %sign3A_122 : i32
    %ne3A_124 = arith.cmpi ne, %sign3A_116, %sign3A_123 : i32
    %rem3A_125 = arith.remsi %sub3A_71, %jit3A_108 : i32
    %ne3A_126 = arith.constant 0 : i32
    %ne3A_127 = arith.cmpi ne, %rem3A_125, %ne3A_126 : i32
    %and3A_128 = arith.andi %ne3A_124, %ne3A_127 : i1
    %sub3A_129 = arith.constant 1 : i32
    %sub3A_130 = arith.subi %div3A_109, %sub3A_129 : i32
    %select_n3A_131 = arith.select %and3A_128, %sub3A_130, %div3A_109 : i32
    %mul3A_132 = arith.constant 4 : i32
    %mul3A_133 = arith.muli %select_n3A_131, %mul3A_132 : i32
    %add3A_134 = arith.addi %add3A_107, %mul3A_133 : i32
    %while3A_135 = arith.constant 64 : i32
    %while3A_136 = arith.subi %while3A_135, %add3A_134 : i32
    %while3A_137 = arith.addi %add3A_134, %while3A_136 : i32
    %while3A_138 = arith.constant 1 : i32
    %while3A_139 = arith.divsi %while3A_136, %while3A_138 : i32
    %while3A_140 = arith.muli %while3A_139, %while3A_138 : i32
    %while3A_141 = arith.addi %add3A_134, %while3A_140 : i32
    %while3A_142 = arith.constant 1 : i32
    %while3A_143 = scf.for %while3A_187 = %add3A_134 to %while3A_141 step %while3A_142 iter_args(%while3A_188 = %while3A_106) -> (vector<128x128xi32>)  : i32 {
      %mul3A_189 = arith.constant 128 : i32
      %mul3A_190 = arith.muli %while3A_187, %mul3A_189 : i32
      %get3A_191 = arith.constant 0 : index
      %get3A_192 = arith.constant 0 : index
      %get3A_193 = arith.index_cast %mul3A_190 : i32 to index
      %get3A_194 = vector.load %arg2[%get3A_191, %get3A_192, %get3A_193] : memref<1x1x8192xi32, #tpu.memory_space<vmem>>, vector<1x1x128xi32>
      %get3A_195 = vector.shape_cast %get3A_194 : vector<1x1x128xi32> to vector<1x128xi32>
      %sub3A_196 = vector.broadcast %get3A_195 : vector<1x128xi32> to vector<128x128xi32>
      %sub3A_197 = arith.subi %sub3A_196, %broadcast_in_dim3A_4 : vector<128x128xi32>
      %shift_right_arithmetic3A_198 = arith.constant 31 : i32
      %shift_right_arithmetic3A_199 = vector.broadcast %shift_right_arithmetic3A_198 : i32 to vector<128x128xi32>
      %shift_right_arithmetic3A_200 = arith.shrsi %sub3A_197, %shift_right_arithmetic3A_199 : vector<128x128xi32>
      %sub3A_201 = arith.subi %while3A_188, %shift_right_arithmetic3A_200 : vector<128x128xi32>
      scf.yield %sub3A_201 : vector<128x128xi32>
    }
    %while3A_144 = arith.constant 1 : i32
    %while3A_145 = scf.for %while3A_187 = %while3A_141 to %while3A_137 step %while3A_144 iter_args(%while3A_188 = %while3A_143) -> (vector<128x128xi32>)  : i32 {
      %mul3A_189 = arith.constant 128 : i32
      %mul3A_190 = arith.muli %while3A_187, %mul3A_189 : i32
      %get3A_191 = arith.constant 0 : index
      %get3A_192 = arith.constant 0 : index
      %get3A_193 = arith.index_cast %mul3A_190 : i32 to index
      %get3A_194 = vector.load %arg2[%get3A_191, %get3A_192, %get3A_193] : memref<1x1x8192xi32, #tpu.memory_space<vmem>>, vector<1x1x128xi32>
      %get3A_195 = vector.shape_cast %get3A_194 : vector<1x1x128xi32> to vector<1x128xi32>
      %sub3A_196 = vector.broadcast %get3A_195 : vector<1x128xi32> to vector<128x128xi32>
      %sub3A_197 = arith.subi %sub3A_196, %broadcast_in_dim3A_4 : vector<128x128xi32>
      %shift_right_arithmetic3A_198 = arith.constant 31 : i32
      %shift_right_arithmetic3A_199 = vector.broadcast %shift_right_arithmetic3A_198 : i32 to vector<128x128xi32>
      %shift_right_arithmetic3A_200 = arith.shrsi %sub3A_197, %shift_right_arithmetic3A_199 : vector<128x128xi32>
      %sub3A_201 = arith.subi %while3A_188, %shift_right_arithmetic3A_200 : vector<128x128xi32>
      scf.yield %sub3A_201 : vector<128x128xi32>
    }
    %mul3A_146 = arith.constant 128 : i32
    %mul3A_147 = vector.broadcast %mul3A_146 : i32 to vector<128x128xi32>
    %mul3A_148 = arith.muli %broadcast_in_dim3A_4, %mul3A_147 : vector<128x128xi32>
    %iota3A = tpu.iota {dimensions = array<i32: 0>} : vector<128x128xi32>
    %add3A_149 = arith.addi %mul3A_148, %iota3A : vector<128x128xi32>
    %mul3A_150 = arith.constant 128 : i32
    %mul3A_151 = arith.muli %arg1, %mul3A_150 : i32
    %get3A_152 = arith.constant 0 : index
    %get3A_153 = arith.constant 0 : index
    %get3A_154 = arith.index_cast %mul3A_151 : i32 to index
    %get3A_155 = vector.load %arg2[%get3A_152, %get3A_153, %get3A_154] : memref<1x1x8192xi32, #tpu.memory_space<vmem>>, vector<1x1x128xi32>
    %get3A_156 = vector.shape_cast %get3A_155 : vector<1x1x128xi32> to vector<1x128xi32>
    %mul3A_157 = arith.constant 128 : i32
    %mul3A_158 = vector.broadcast %mul3A_157 : i32 to vector<1x128xi32>
    %mul3A_159 = arith.muli %get3A_156, %mul3A_158 : vector<1x128xi32>
    %iota3A_160 = tpu.iota {dimensions = array<i32: 1>} : vector<1x128xi32>
    %add3A_161 = arith.addi %mul3A_159, %iota3A_160 : vector<1x128xi32>
    %sub3A_162 = vector.broadcast %add3A_161 : vector<1x128xi32> to vector<128x128xi32>
    %sub3A_163 = arith.subi %sub3A_162, %add3A_149 : vector<128x128xi32>
    %shift_right_arithmetic3A = arith.constant 31 : i32
    %shift_right_arithmetic3A_164 = vector.broadcast %shift_right_arithmetic3A : i32 to vector<128x128xi32>
    %shift_right_arithmetic3A_165 = arith.shrsi %sub3A_163, %shift_right_arithmetic3A_164 : vector<128x128xi32>
    %sub3A_166 = arith.subi %while3A_145, %shift_right_arithmetic3A_165 : vector<128x128xi32>
    %mul3A_167 = arith.constant 128 : i32
    %mul3A_168 = arith.muli %arg1, %mul3A_167 : i32
    %reduce_sum3A = arith.constant dense<0> : vector<128xi32>
    %reduce_sum3A_169 = vector.multi_reduction <add>, %sub3A_166, %reduce_sum3A [1] : vector<128x128xi32> to vector<128xi32>
    %broadcast_in_dim3A_170 = vector.shape_cast %reduce_sum3A_169 : vector<128xi32> to vector<128x1xi32>
    %add3A_171 = vector.broadcast %mul3A_168 : i32 to vector<128x1xi32>
    %add3A_172 = arith.addi %add3A_171, %broadcast_in_dim3A_170 : vector<128x1xi32>
    %swap3A = arith.constant 0 : index
    %swap3A_173 = arith.constant 0 : index
    %swap3A_174 = arith.constant 0 : index
    %swap3A_175 = vector.load %arg4[%swap3A, %swap3A_173, %swap3A_174] : memref<1x128x1xi32, #tpu.memory_space<vmem>>, vector<1x128x1xi32>
    %swap3A_176 = vector.shape_cast %swap3A_175 : vector<1x128x1xi32> to vector<128x1xi32>
    %swap3A_177 = vector.shape_cast %add3A_172 : vector<128x1xi32> to vector<1x128x1xi32>
    tpu.vector_store %arg4[%swap3A, %swap3A_173, %swap3A_174], %swap3A_177 {strides = array<i32>} : memref<1x128x1xi32, #tpu.memory_space<vmem>>, vector<1x128x1xi32>,
    %ge3A = arith.constant 2048 : i32
    %ge3A_178 = vector.broadcast %ge3A : i32 to vector<128x1xi32>
    %ge3A_179 = arith.cmpi sge, %add3A_172, %ge3A_178 : vector<128x1xi32>
    %convert_element_type3A = arith.extui %ge3A_179 : vector<128x1xi1> to vector<128x1xi32>
    %convert_element_type3A_180 = arith.sitofp %convert_element_type3A : vector<128x1xi32> to vector<128x1xf32>
    %swap3A_181 = arith.constant 0 : index
    %swap3A_182 = arith.constant 0 : index
    %swap3A_183 = arith.constant 0 : index
    %swap3A_184 = vector.load %arg5[%swap3A_181, %swap3A_182, %swap3A_183] : memref<1x128x1xf32, #tpu.memory_space<vmem>>, vector<1x128x1xf32>
    %swap3A_185 = vector.shape_cast %swap3A_184 : vector<1x128x1xf32> to vector<128x1xf32>
    %swap3A_186 = vector.shape_cast %convert_element_type3A_180 : vector<128x1xf32> to vector<1x128x1xf32>
    tpu.vector_store %arg5[%swap3A_181, %swap3A_182, %swap3A_183], %swap3A_186 {strides = array<i32>} : memref<1x128x1xf32, #tpu.memory_space<vmem>>, vector<1x128x1xf32>,
    return
  }
  func.func @transform_0(%arg0: i32, %arg1: i32) -> (i32, i32, i32) {
    %c0_i32 = arith.constant 0 : i32
    %c0_i32_0 = arith.constant 0 : i32
    %c0_i32_1 = arith.constant 0 : i32
    return %arg0, %c0_i32, %c0_i32_0 : i32, i32, i32
  }
  func.func @transform_1(%arg0: i32, %arg1: i32) -> (i32, i32, i32) {
    %c0_i32 = arith.constant 0 : i32
    %c0_i32_0 = arith.constant 0 : i32
    return %arg0, %arg1, %c0_i32 : i32, i32, i32
  }
  func.func @transform_2(%arg0: i32, %arg1: i32) -> (i32, i32, i32) {
    %c0_i32 = arith.constant 0 : i32
    %c0_i32_0 = arith.constant 0 : i32
    return %arg0, %arg1, %c0_i32 : i32, i32, i32
  }
  func.func @transform_3(%arg0: i32, %arg1: i32) -> (i32, i32, i32) {
    %c0_i32 = arith.constant 0 : i32
    %c0_i32_0 = arith.constant 0 : i32
    return %arg0, %arg1, %c0_i32 : i32, i32, i32
  }
}

</mosaic_0001>

<sc_bundles>
// kernel: kernel.4.cloned.1.call-start
scs
__scs_entry_jumppad:
0x0: {  	(pc) =	sbr.rel $0x88, $3  }
0x1: {  	(tag) =	ssettag $0x0;
	lr =	simm.s32 $0x1  }
0x2: {  	[smem:$0x3FA0] =	sst lr;
	_ =	strace $0xD0000000  }
0x3: {  	_ = 	snop  }
0x4: {  	_ = 	snop  }
0x5: {  	_ = 	snop  }
0x6: {  	_ = 	snop  }
0x7: {  	_ = 	snop  }
__scs_overlays_trampoline_lowered:
0x8: {  	[smem:$0x3FAF] =	sst s0  }
0x9: {  	[smem:$0x3FB0] =	sst s1  }
0xa: {  	[smem:$0x3FB1] =	sst s2  }
0xb: {  	[smem:$0x3FB2] =	sst s3  }
0xc: {  	[smem:$0x3FB3] =	sst s4  }
0xd: {  	[smem:$0x3FB4] =	sst s5  }
0xe: {  	[smem:$0x3FB5] =	sst s6  }
0xf: {  	[smem:$0x3FB6] =	sst s7  }
0x10: {  	[smem:$0x3FB7] =	sst s8  }
0x11: {  	[smem:$0x3FB8] =	sst s9;
	s0 =	simm.s32 @!p0 $0x0  }
0x12: {  	s1 =	sld [smem:$0x3F9E];
	s0 =	simm.s32 @p0 $0x1  }
0x13: {  	[smem:$0x3FB9] =	sst s0;
	s0 =	simm.s32 @!p1 $0x0  }
0x14: {  	s2 =	sld [smem:$0x3F9D];
	s0 =	simm.s32 @p1 $0x1  }
0x15: {  	[smem:$0x3FBA] =	sst s0;
	s0 =	simm.s32 @!p2 $0x0  }
0x16: {  	s3 =	sld [smem:$0x3FDB];
	s0 =	simm.s32 @p2 $0x1  }
0x17: {  	s4 =	simm.s32 $0x1BF5;
	[smem:$0x3FBC] =	sst s0  }
0x18: {  	s0 =	sld [smem:$0x3F9F];
	_ =	swait.ge [sflag:s4], $0x0  }
0x19: {  	s7 =	sld [smem:$0x3FA0]  }
0x1a: {  	s8 =	sadd.s32 $0xFFFFE003, lr  }
0x1b: {  	s9 =	sadd.s32 $0xFFFFFEF7, lr;
	s5 =	simm.s32 $0xFFFFFFFF;
	p2 =	slt.u32 s8, $0xFFFFF086  }
0x1c: {  	p1 =	slt.u32 s9, $0xF7A;
	s5 =	simm.s32 @!p2 $0x0  }
0x1d: {  	s5 =	simm.s32 @p1 $0x1;
	p0 =	seq.s32 s7, s2  }
0x1e: {  	s7 =	smul.u32 @!p0 $0xF7A, s2;
	p2 =	seq.s32 @!p0 s5, $0x0  }
0x1f: {  	s9 =	smul.u32 $0xF7A, s1;
	s8 =	simm.s32 @!p0 $0x1BF5;
	p2 =	por !p2, p0  }
0x20: {  	[sflag:s8] =	ssyncset.s32 @!p0 $0xFFFFF086;
	s6 =	sadd.s32 @!p0 s3, s7;
	s7 =	simm.s32 @!p0 $0x108  }
0x21: {  	s3 =	sadd.s32 s3, s9;
	s6 =	sadd.s32 @!p0 $0x88, s6;
	s7 =	simm.s32 @p2 $0x1082  }
0x22: {  	[simem:s7], [sflag:s8] =	dma.local @!p0 [hbm:s6], $0xF7A  }
0x23: {  	s9 =	sor.u32 $0xD0000000, s2;
	s6 =	simm.s32 $0x108;
	_ =	swait.ge @!p0 [sflag:s8], $0x0  }
0x24: {  	s3 =	sadd.s32 $0x88, s3;
	s6 =	simm.s32 @!p1 $0x1082;
	[sflag:s4] =	ssyncset.s32 $0xFFFFF086  }
0x25: {  	[simem:s6], [sflag:s4] =	dma.local [hbm:s3], $0xF7A  }
0x26: {  	[smem:$0x3FA0] =	sst s1;
	(tag) =	ssettag s2;
	_ =	strace s9  }
0x27: {  	s1 =	sld [smem:$0x3FB0]  }
0x28: {  	s2 =	sld [smem:$0x3FB1]  }
0x29: {  	s4 =	sld [smem:$0x3FB3]  }
0x2a: {  	p0 =	seq.s32 s5, $0x0;
	s5 =	sld [smem:$0x3FB4]  }
0x2b: {  	s6 =	sld [smem:$0x3FB5]  }
0x2c: {  	s7 =	sld [smem:$0x3FB6]  }
0x2d: {  	s3 =	simm.s32 $0x108;
	s8 =	sld [smem:$0x3FB7]  }
0x2e: {  	s3 =	simm.s32 @!p0 $0x1082;
	s9 =	sld [smem:$0x3FB8]  }
0x2f: {  	lr =	sadd.s32 s0, s3;
	s0 =	sld [smem:$0x3FAF]  }
0x30: {  	s3 =	sld [smem:$0x3FB2]  }
0x31: {  	[smem:$0x3FBB] =	sst s10  }
0x32: {  	s10 =	sld [smem:$0x3FB9];
	_ =	sdelay $0x3  }
0x33: {  	p0 =	seq.s32 s10, $0x1;
	s10 =	sld [smem:$0x3FBB];
	_ =	sdelay $0x3  }
0x34: {  	[smem:$0x3FBB] =	sst s10  }
0x35: {  	s10 =	sld [smem:$0x3FBA];
	_ =	sdelay $0x3  }
0x36: {  	p1 =	seq.s32 s10, $0x1;
	s10 =	sld [smem:$0x3FBB];
	_ =	sdelay $0x3  }
0x37: {  	[smem:$0x3FBB] =	sst s10  }
0x38: {  	s10 =	sld [smem:$0x3FBC]  }
0x39: {  	_ = 	snop;
	(pc) =	sbr.ind lr, $3  }
0x3a: {  	_ = 	snop  }
0x3b: {  	_ = 	snop  }
0x3c: {  	p2 =	seq.s32 s10, $0x1;
	s10 =	sld [smem:$0x3FBB]  }
0x3d: {  	_ =	shalt  }
0x3e: {  	_ =	shalt  }
0x3f: {  	_ =	shalt  }
0x40: {  	_ =	shalt  }
0x41: {  	_ =	shalt  }
0x42: {  	_ =	shalt  }
0x43: {  	_ =	shalt  }
0x44: {  	_ =	shalt  }
0x45: {  	_ =	shalt  }
0x46: {  	_ =	shalt  }
0x47: {  	_ =	shalt  }
0x48: {  	_ =	shalt  }
0x49: {  	_ =	shalt  }
0x4a: {  	_ =	shalt  }
0x4b: {  	_ =	shalt  }
0x4c: {  	_ =	shalt  }
0x4d: {  	_ =	shalt  }
0x4e: {  	_ =	shalt  }
0x4f: {  	_ =	shalt  }
0x50: {  	_ =	shalt  }
0x51: {  	_ =	shalt  }
0x52: {  	_ =	shalt  }
0x53: {  	_ =	shalt  }
0x54: {  	_ =	shalt  }
0x55: {  	_ =	shalt  }
0x56: {  	_ =	shalt  }
0x57: {  	_ =	shalt  }
0x58: {  	_ =	shalt  }
0x59: {  	_ =	shalt  }
0x5a: {  	_ =	shalt  }
0x5b: {  	_ =	shalt  }
0x5c: {  	_ =	shalt  }
0x5d: {  	_ =	shalt  }
0x5e: {  	_ =	shalt  }
0x5f: {  	_ =	shalt  }
0x60: {  	_ =	shalt  }
0x61: {  	_ =	shalt  }
0x62: {  	_ =	shalt  }
0x63: {  	_ =	shalt  }
0x64: {  	_ =	shalt  }
0x65: {  	_ =	shalt  }
0x66: {  	_ =	shalt  }
0x67: {  	_ =	shalt  }
0x68: {  	_ =	shalt  }
0x69: {  	_ =	shalt  }
0x6a: {  	_ =	shalt  }
0x6b: {  	_ =	shalt  }
0x6c: {  	_ =	shalt  }
0x6d: {  	_ =	shalt  }
0x6e: {  	_ =	shalt  }
0x6f: {  	_ =	shalt  }
0x70: {  	_ =	shalt  }
0x71: {  	_ =	shalt  }
0x72: {  	_ =	shalt  }
0x73: {  	_ =	shalt  }
0x74: {  	_ =	shalt  }
0x75: {  	_ =	shalt  }
0x76: {  	_ =	shalt  }
0x77: {  	_ =	shalt  }
0x78: {  	_ =	shalt  }
0x79: {  	_ =	shalt  }
0x7a: {  	_ =	shalt  }
0x7b: {  	_ =	shalt  }
0x7c: {  	_ =	shalt  }
0x7d: {  	_ =	shalt  }
0x7e: {  	_ =	shalt  }
0x7f: {  	_ =	shalt  }
0x80: {  	_ =	shalt  }
0x81: {  	_ =	shalt  }
0x82: {  	_ =	shalt  }
0x83: {  	_ =	shalt  }
0x84: {  	_ =	shalt  }
0x85: {  	_ =	shalt  }
0x86: {  	_ =	shalt  }
0x87: {  	_ =	shalt  }
.Lfunc_end0:
.L_simem_size_0:
called_computation_lowered:
.L_overlay_start_0:
0x88: {  	s2 =	sld [smem:$0x3FD9]  }
0x89: {  	s3 =	sld [smem:$0x3FFE];
	_ =	sdelay $0x1  }
0x8a: {  	s1 =	srdreg.scid  }
0x8b: {  	s0 =	sand.u32 $0x1, s1  }
0x8c: {  	s15 =	sshll.u32 s0, $0xA;
	s2 =	sadd.s32 s3, s2  }
0x8d: {  	s2 =	sadd.s32 s2, s15  }
0x8e: {  	[smem:$0x3FC7] =	sst s2  }
0x8f: {  	_ = 	snop  }
0x90: {  	s2 =	sld [smem:$0x3FD0];
	_ =	sdelay $0x2  }
0x91: {  	s4 =	simm.s32 $0xA;
	s5 =	simm.s32 $0x10;
	s16 =	sld [smem:$0x3FC9]  }
0x92: {  	[smem:s5], [sflag:s4] =	dma.local [hbm:s2], $0x1  }
0x93: {  	_ =	swait.eq [sflag:s4], $0x1  }
0x94: {  	[sflag:s4] =	ssyncset.done $0x0  }
0x95: {  	s17 =	sld [smem:$0x10];
	[sflag:s4] =	ssyncadd.s32 $0xFFFFFFFF  }
0x96: {  	s18 =	sld [smem:$0x12];
	(tm) =	ssettm $0x1  }
0x97: {  	s19 =	sld [smem:$0x3FFB];
	_ =	sdelay $0x3  }
0x98: {  	_ =	strace s19  }
0x99: {  	s5 =	sld [smem:$0x3FFC];
	_ =	sdelay $0x3  }
0x9a: {  	_ =	strace s5  }
0x9b: {  	s5 =	sld [smem:$0x3FFD];
	_ =	sdelay $0x3  }
0x9c: {  	_ =	strace s5  }
0x9d: {  	_ =	strace $0x8FFFFFFF  }
0x9e: {  	s20 =	sld [smem:$0x3FDB];
	_ =	sdelay $0x1  }
0x9f: {  	s6 =	simm.s32 $_scs_section_size  }
0xa0: {  	s7 =	simm.s32 $_size__tile_overlayer_lowered;
	s8 =	simm.s32 $_tile_overlayer_lowered  }
0xa1: {  	s23 =	simm.s32 $0x1BFF;
	s22 =	sshll.u32 s8, $0x1;
	s5 =	sadd.s32 s6, s20  }
0xa2: {  	s9 =	simm.s32 $0x0;
	s21 =	sshll.u32 s7, $0x1;
	s7 =	sadd.s32 s22, s5  }
0xa3: {  	[timem:s9], [sflag:s23] =	dma.local [hbm:s7], s21  }
0xa4: {  	_ =	swait.ge [sflag:s23], s21  }
0xa5: {  	s6 =	ssub.s32 $0x0, s21;
	[sflag:s23] =	ssyncset.done $0x0  }
0xa6: {  	[sflag:s23] =	ssyncadd.s32 s6;
	_ =	sdelay $0x1  }
0xa7: {  	s24 =	simm.s32 $0x1B8B  }
0xa8: {  	_ =	swait.ge [sflag:s24], $0x1  }
0xa9: {  	[sflag:s24] =	ssyncset.done $0x0  }
0xaa: {  	s25 =	simm.s32 $0x1B8E;
	[sflag:s24] =	ssyncadd.s32 $0xFFFFFFFF  }
0xab: {  	s26 =	simm.s32 $execute0_lowered;
	[smem:$0x3FD2] =	sst s25  }
0xac: {  	s6 =	sshll.u32 s26, $0x1;
	_ =	strace $0x80000046;
	[dreg:$0x1] =	wrdreg $0xFFFFFFFF  }
0xad: {  	s28 =	simm.s32 $_size_execute0_lowered;
	s5 =	sadd.s32 s5, s6;
	[dreg:$0x0] =	wrdreg $0x0  }
0xae: {  	s6 =	sshll.u32 s28, $0x1;
	[dreg:$0x2] =	wrdreg s5  }
0xaf: {  	[dreg:$0x3] =	wrdreg s6  }
0xb0: {  	[dreg:$0x4] =	wrdreg $0xC0  }
0xb1: {  	_ =	task [dreg:s9], $0x5FFFF  }
0xb2: {  	[dreg:$0x1] =	wrdreg $0xFFFFFFFF  }
0xb3: {  	[dreg:$0x0] =	wrdreg $0x60  }
0xb4: {  	[dreg:$0x2] =	wrdreg s18  }
0xb5: {  	[dreg:$0x3] =	wrdreg s16  }
0xb6: {  	[dreg:$0x4] =	wrdreg s17  }
0xb7: {  	[dreg:$0x5] =	wrdreg $0x9  }
0xb8: {  	_ =	task.clear_ibuf [dreg:s9], $0x6FFFF;
	_ =	strace $0x90000046  }
0xb9: {  	s29 =	simm.s32 $0x9;
	_ =	strace $0x80000048  }
0xba: {  	_ =	swait.ge [sflag:s29], $0x1  }
0xbb: {  	[sflag:s29] =	ssyncadd.s32 $0xFFFFFFFF  }
0xbc: {  	_ =	strace $0x90000048  }
0xbd: {  	_ =	sfence  }
0xbe: {  	s30 =	sld [smem:$0x0];
	_ =	sdelay $0x2  }
0xbf: {  	s31 =	sshll.u32 s1, $0xD;
	s1 =	sshrl.u32 s1, $0x2  }
0xc0: {  	s3 =	sand.u32 $0x4000, s31;
	s1 =	sadd.s32 s1, s30  }
0xc1: {  	s0 =	sor.u32 s3, s0;
	s1 =	sshll.u32 s1, $0x11  }
0xc2: {  	s0 =	sor.u32 s1, s0  }
0xc3: {  	s0 =	sadd.s32 $0x8F2B, s0  }
0xc4: {  	[sflag:s0] =	ssyncadd.remote.s32 $0x1  }
0xc5: {  	_ =	sfence.sel $0xFFFF  }
0xc6: {  	[dreg:$0x0] =	wrdreg $0xFFFFFFFF;
	(pc) =	sbr.abs _section_cstart, $3  }
0xc7: {  	[dreg:$0x1] =	wrdreg $0xFFFFFFFF  }
0xc8: {  	_ =	task.clear_ibuf [dreg:s9], $0x2FFFF;
	_ =	strace $0x9FFFFFFF  }
0xc9: {  	(tm) =	ssettm $0x7FFFFFFF  }
tec
execute0_lowered:
.L_overlay_start_1:
0x0: {  	(tag) =	ssettag $0x1  }
0x1: {  	s0 =	rddreg [dreg:$0x0]  }
0x2: {  	s5 =	rddreg [dreg:$0x1]  }
0x3: {  	s6 =	rddreg [dreg:$0x2];
	s1 =	srdreg.scid  }
0x4: {  	s2 =	simm.s32 $0x0;
	s7 =	stileid.u32;
	s29 =	simm.s32 $0x80  }
0x5: {  	s30 =	simm.s32 $0x2800;
	s9 =	simm.s32 $0xA800;
	s12 =	simm.s32 $0xC800  }
0x6: {  	s31 =	simm.s32 $0x1;
	s8 =	simm.s32 $0x0;
	s1 =	sand.u32 $0x1, s1  }
0x7: {  	[smem:$0x7FF] =	sst s2;
	s4 =	sshll.u32 s7, $0x1;
	s14 =	sshll.u32 s7, $0x2  }
0x8: {  	s19 =	sadd.s32 $0x10, s5;
	s20 =	sadd.s32 $0x20, s5;
	s21 =	sadd.s32 $0x30, s5  }
0x9: {  	s24 =	sadd.s32 $0x40, s5;
	_ =	strace $0x80000047;
	[dreg:$0x6] =	wrdreg s19  }
0xa: {  	s25 =	sadd.s32 $0x50, s5;
	s17 =	sadd.s32 $0x60, s5;
	[dreg:$0x8] =	wrdreg s20  }
0xb: {  	s28 =	sadd.s32 $0x70, s6;
	s7 =	simm.s32 $0x8800;
	[dreg:$0x9] =	wrdreg s21  }
0xc: {  	s13 =	ssub.s32 $0x2, s1;
	s1 =	sor.u32 s1, s4;
	[dreg:$0xd] =	wrdreg s24  }
0xd: {  	[dreg:$0xe] =	wrdreg s25;
	s24 =	sadd.s32 $0x50, s6;
	s25 =	simm.s32 $0x10800  }
0xe: {  	s3 =	sshrl.u32 s13, $0x1;
	s15 =	sshll.u32 s1, $0x8;
	s4 =	sshll.u32 s1, $0x12  }
0xf: {  	s23 =	sshll.u32 s1, $0x5;
	s1 =	simm.s32 $0x2;
	s2 =	ssub.s32 s13, s3  }
0x10: {  	s3 =	sand.u32 $0x30, s14;
	s18 =	sadd.s32 s5, s4;
	s22 =	sadd.s32 s4, s21  }
0x11: {  	[dreg:$0xc] =	wrdreg s23;
	s21 =	sadd.s32 $0x30, s6;
	s16 =	smov.u32 s15  }
0x12: {  	s23 =	sadd.s32 $0x40, s6;
	s13 =	simm.s32 $0xE800;
	[dreg:$0x5] =	wrdreg s18  }
0x13: {  	s0 =	sadd.s32 s0, s3;
	[dreg:$0xb] =	wrdreg s22;
	s18 =	sadd.s32 $0x70, s5  }
0x14: {  	s22 =	sor.u32 $0x8, s15;
	s26 =	smax.u32 s2, $0x1;
	[dreg:$0x4] =	wrdreg s0  }
0x15: {  	s3 =	simm.s32 $0x400;
	s0 =	sadd.s32 s4, s19;
	[dreg:$0xf] =	wrdreg s26  }
0x16: {  	s19 =	sadd.s32 $0x10, s6;
	s26 =	sadd.s32 $0x60, s6;
	[dreg:$0x7] =	wrdreg s0  }
0x17: {  	s0 =	sadd.s32 s4, s20;
	s20 =	sadd.s32 $0x20, s6;
	s4 =	simm.s32 $0x4800  }
0x18: {  	v0 =	vlaneseq.u32;
	s6 =	simm.s32 $0x6800;
	[dreg:$0xa] =	wrdreg s0;
	s0 =	simm.s32 $0x2000  }
.LBB2_1:
0x19: {  	[dreg:$0x10] =	wrdreg s8;
	s2 =	simm.s32 $0x0  }
0x1a: {  	s5 =	rddreg [dreg:$0x4];
	s14 =	simm.s32 $0x200;
	s15 =	simm.s32 $0x5  }
0x1b: {  	[tilespmem:s2], [sflag:$0x5] =	stream.strided.gather [hbm4b:s5+s29], $0x2000, s14, s29, $0x38;
	[tilespmem:$0x16800] =	vst v63  }
0x1c: {  	_ =	swait.ge [sflag:s15], $0x2000  }
0x1d: {  	[sflag:s15] =	ssyncset.done $0x0  }
0x1e: {  	[sflag:s15] =	ssyncadd.s32 $0xFFFFE000  }
0x1f: {  	s8 =	simm.s32 $0x0;
	s5 =	simm.s32 $0x10;
	v1 =	vld [tilespmem:s2+$0x0];
	s2 =	simm.s32 $0x0  }
.LBB2_2:
0x20: {  	p0 =	sne.s32 s5, $0x1FF0;
	_ =	sdelay $0x3  }
0x21: {  	vm0 =	vlt.s32 v1, $0x800  }
0x22: {  	v1 =	vnsel vm0, $0x7FF, v1;
	_ =	sdelay $0x1  }
.Ltmp0:
0x23: {  	(pc) =	sbr.rel @p0 .LBB2_2-.Ltmp0, $4  }
0x24: {  	_ = 	snop  }
0x25: {  	v2 =	vor.u32 s2, v0;
	s2 =	smov.u32 s5  }
0x26: {  	s8 =	sadd.s32 $0x10, s8;
	[tilespmem:v1+s0+$0x0] =	vst.idx.msk vm0, v2  }
0x27: {  	s5 =	sadd.s32 $0x10, s5;
	v1 =	vld [tilespmem:s8+$0x0]  }
0x28: {  	_ =	sdelay $0x3  }
0x29: {  	vm0 =	vlt.s32 v1, $0x800  }
0x2a: {  	v1 =	vnsel vm0, $0x7FF, v1;
	_ =	sdelay $0x3  }
0x2b: {  	v2 =	vor.u32 s2, v0  }
0x2c: {  	s10 =	rddreg [dreg:$0x5];
	[tilespmem:v1+s0+$0x0] =	vst.idx.msk vm0, v2  }
0x2d: {  	[tilespmem:s30], [sflag:$0x1] =	stream.strided.gather [hbm4b:s10+s29], $0x2000, s3, s29, $0x38;
	[tilespmem:$0x16800] =	vst v63  }
0x2e: {  	s11 =	rddreg [dreg:$0x7]  }
0x2f: {  	[tilespmem:s4], [sflag:$0x1] =	stream.strided.gather [hbm4b:s11+s29], $0x2000, s3, s29, $0x38;
	[tilespmem:$0x16800] =	vst v63  }
0x30: {  	s14 =	rddreg [dreg:$0xa]  }
0x31: {  	[tilespmem:s6], [sflag:$0x1] =	stream.strided.gather [hbm4b:s14+s29], $0x2000, s3, s29, $0x38;
	[tilespmem:$0x16800] =	vst v63  }
0x32: {  	s15 =	rddreg [dreg:$0xb];
	s5 =	simm.s32 $0x0  }
0x33: {  	[tilespmem:s7], [sflag:$0x1] =	stream.strided.gather [hbm4b:s15+s29], $0x2000, s3, s29, $0x38;
	[tilespmem:$0x16800] =	vst v63  }
.LBB2_4:
0x34: {  	s2 =	rddreg [dreg:$0xc]  }
0x35: {  	s2 =	sadd.s32 s2, s5  }
0x36: {  	s10 =	rddreg [dreg:$0xd];
	s8 =	sshll.u32 s2, $0xD  }
0x37: {  	s14 =	rddreg [dreg:$0xe];
	s10 =	sadd.s32 s8, s10  }
0x38: {  	[tilespmem:s9], [sflag:$0x2] =	stream.strided.gather [hbm4b:s10+s29], $0x2000, s3, s29, $0x38;
	[tilespmem:$0x16800] =	vst v63  }
0x39: {  	s10 =	sadd.s32 s8, s14  }
0x3a: {  	[tilespmem:s12], [sflag:$0x2] =	stream.strided.gather [hbm4b:s10+s29], $0x2000, s3, s29, $0x38;
	[tilespmem:$0x16800] =	vst v63  }
0x3b: {  	s15 =	sadd.s32 s8, s17  }
0x3c: {  	[tilespmem:s13], [sflag:$0x2] =	stream.strided.gather [hbm4b:s15+s29], $0x2000, s3, s29, $0x38;
	[tilespmem:$0x16800] =	vst v63  }
0x3d: {  	s8 =	sadd.s32 s8, s18  }
0x3e: {  	[tilespmem:s25], [sflag:$0x2] =	stream.strided.gather [hbm4b:s8+s29], $0x2000, s3, s29, $0x38;
	[tilespmem:$0x16800] =	vst v63  }
0x3f: {  	_ =	swait.ge [sflag:s31], $0x2000  }
0x40: {  	[sflag:s31] =	ssyncset.done $0x0  }
0x41: {  	[sflag:s31] =	ssyncadd.s32 $0xFFFFE000  }
0x42: {  	_ =	swait.ge [sflag:s31], $0x2000  }
0x43: {  	[sflag:s31] =	ssyncset.done $0x0  }
0x44: {  	[sflag:s31] =	ssyncadd.s32 $0xFFFFE000  }
0x45: {  	_ =	swait.ge [sflag:s31], $0x2000  }
0x46: {  	[sflag:s31] =	ssyncset.done $0x0  }
0x47: {  	[sflag:s31] =	ssyncadd.s32 $0xFFFFE000  }
0x48: {  	_ =	swait.ge [sflag:s31], $0x2000  }
0x49: {  	p0 =	seq.s32 s5, $0x0;
	[sflag:s31] =	ssyncset.done $0x0  }
0x4a: {  	s8 =	simm.s32 @!p0 $0x3;
	[sflag:s31] =	ssyncadd.s32 $0xFFFFE000  }
0x4b: {  	_ =	swait.ge @!p0 [sflag:s8], $0x800  }
0x4c: {  	[sflag:s8] =	ssyncset.done @!p0 $0x0  }
0x4d: {  	[sflag:s8] =	ssyncadd.s32 @!p0 $0xFFFFF800  }
0x4e: {  	_ =	swait.ge @!p0 [sflag:s8], $0x800  }
0x4f: {  	[sflag:s8] =	ssyncset.done @!p0 $0x0  }
0x50: {  	[sflag:s8] =	ssyncadd.s32 @!p0 $0xFFFFF800  }
0x51: {  	_ =	swait.ge @!p0 [sflag:s8], $0x800  }
0x52: {  	[sflag:s8] =	ssyncset.done @!p0 $0x0  }
0x53: {  	[sflag:s8] =	ssyncadd.s32 @!p0 $0xFFFFF800  }
0x54: {  	_ =	swait.ge @!p0 [sflag:s8], $0x800  }
0x55: {  	[sflag:s8] =	ssyncset.done @!p0 $0x0  }
0x56: {  	s11 =	simm.s32 $0x0;
	[sflag:s8] =	ssyncadd.s32 @!p0 $0xFFFFF800  }
0x57: {  	v1 =	vld [tilespmem:s11+$0x2000];
	_ =	sdelay $0x7  }
0x58: {  	v2 =	vld.idx.msk [tilespmem:v1+s30+$0x0], $0xffff;
	_ =	sdelay $0x4  }
0x59: {  	[tilespmem:s11+$0x12800] =	vst v2  }
0x5a: {  	v2 =	vld.idx.msk [tilespmem:v1+s4+$0x0], $0xffff;
	_ =	sdelay $0x4  }
0x5b: {  	[tilespmem:s11+$0x13000] =	vst v2  }
0x5c: {  	v2 =	vld.idx.msk [tilespmem:v1+s6+$0x0], $0xffff;
	_ =	sdelay $0x2  }
0x5d: {  	s8 =	sshll.u32 s5, $0x3  }
0x5e: {  	s14 =	simm.s32 $0x80;
	s15 =	simm.s32 $0x10;
	s10 =	sadd.s32 s16, s8  }
.LBB2_5:
0x5f: {  	p1 =	sne.s32 s14, $0x1FC0;
	v3 =	vld [tilespmem:s15+$0x2000];
	[tilespmem:s11+$0x13800] =	vst v2  }
0x60: {  	v2 =	vld.idx.msk [tilespmem:v1+s7+$0x0], $0xffff;
	_ =	sdelay $0x3  }
0x61: {  	v1 =	vmov v3;
	_ =	sdelay $0x1  }
0x62: {  	[tilespmem:s11+$0x14000] =	vst v2;
	s11 =	smov.u32 s15  }
0x63: {  	v2 =	vld.idx.msk [tilespmem:v3+s30+$0x0], $0xffff;
	_ =	sdelay $0x5  }
0x64: {  	[tilespmem:s11+$0x12800] =	vst v2  }
0x65: {  	v2 =	vld.idx.msk [tilespmem:v3+s4+$0x0], $0xffff;
	_ =	sdelay $0x5  }
0x66: {  	[tilespmem:s11+$0x13000] =	vst v2  }
0x67: {  	v2 =	vld.idx.msk [tilespmem:v3+s6+$0x0], $0xffff  }
.Ltmp1:
0x68: {  	(pc) =	sbr.rel @p1 .LBB2_5-.Ltmp1, $2  }
0x69: {  	_ =	sdelay $0x2  }
0x6a: {  	s15 =	sshra.s32 s14, $0x2;
	s14 =	sadd.s32 $0x40, s14  }
0x6b: {  	_ =	sdelay $0x1  }
0x6c: {  	v3 =	vld [tilespmem:s15+$0x2000]  }
0x6d: {  	[tilespmem:s11+$0x13800] =	vst v2  }
0x6e: {  	v1 =	vld.idx.msk [tilespmem:v1+s7+$0x0], $0xffff;
	_ =	sdelay $0x4  }
0x6f: {  	[tilespmem:s11+$0x14000] =	vst v1  }
0x70: {  	v1 =	vld.idx.msk [tilespmem:v3+s30+$0x0], $0xffff;
	_ =	sdelay $0x4  }
0x71: {  	[tilespmem:s15+$0x12800] =	vst v1  }
0x72: {  	v1 =	vld.idx.msk [tilespmem:v3+s4+$0x0], $0xffff;
	_ =	sdelay $0x4  }
0x73: {  	[tilespmem:s15+$0x13000] =	vst v1  }
0x74: {  	v1 =	vld.idx.msk [tilespmem:v3+s6+$0x0], $0xffff;
	_ =	sdelay $0x4  }
0x75: {  	[tilespmem:s15+$0x13800] =	vst v1  }
0x76: {  	v1 =	vld.idx.msk [tilespmem:v3+s7+$0x0], $0xffff;
	_ =	sdelay $0x4  }
0x77: {  	s10 =	sshll.u32 s10, $0x8;
	[tilespmem:s15+$0x14000] =	vst v1;
	s15 =	rddreg [dreg:$0x2]  }
0x78: {  	s14 =	simm.s32 $0x12800;
	s11 =	sadd.s32 s15, s10  }
0x79: {  	[hbm4b:s11+s29] =	stream.strided.scatter [tilespmem:s14], [sflag:$0x3], $0x800, s3, s29, $0x38;
	[tilespmem:$0x16800] =	vst v63  }
0x7a: {  	p1 =	seq.s32 s5, $0x1F;
	s15 =	simm.s32 $0x13000;
	s14 =	sadd.s32 s10, s19  }
0x7b: {  	[hbm4b:s14+s29] =	stream.strided.scatter [tilespmem:s15], [sflag:$0x3], $0x800, s3, s29, $0x38;
	[tilespmem:$0x16800] =	vst v63  }
0x7c: {  	s8 =	sadd.s32 @!p1 s8, s22;
	s14 =	sadd.s32 s10, s20;
	s15 =	simm.s32 $0x13800  }
0x7d: {  	[hbm4b:s14+s29] =	stream.strided.scatter [tilespmem:s15], [sflag:$0x3], $0x800, s3, s29, $0x38;
	[tilespmem:$0x16800] =	vst v63  }
0x7e: {  	s8 =	sshll.u32 @!p1 s8, $0xA;
	s10 =	sadd.s32 s10, s21;
	s15 =	simm.s32 $0x14000  }
0x7f: {  	[hbm4b:s10+s29] =	stream.strided.scatter [tilespmem:s15], [sflag:$0x3], $0x800, s3, s29, $0x38;
	[tilespmem:$0x16800] =	vst v63  }
0x80: {  	s8 =	sand.u32 @!p1 $0x1FFFE000, s8;
	s11 =	simm.s32 @!p1 $0x80;
	s10 =	rddreg [dreg:$0x1]  }
0x81: {  	s14 =	simm.s32 @!p1 $0x400;
	s15 =	simm.s32 @!p1 $0x2800;
	s10 =	sadd.s32 @!p1 s10, s8  }
0x82: {  	[tilespmem:s15], [sflag:$0x1] =	stream.strided.gather @!p1 [hbm4b:s10+s11], $0x2000, s14, s11, $0x38;
	[tilespmem:$0x16800] =	vst v63  }
0x83: {  	s10 =	rddreg [dreg:$0x6]  }
0x84: {  	s15 =	simm.s32 @!p1 $0x4800;
	s10 =	sadd.s32 @!p1 s8, s10  }
0x85: {  	[tilespmem:s15], [sflag:$0x1] =	stream.strided.gather @!p1 [hbm4b:s10+s11], $0x2000, s14, s11, $0x38;
	[tilespmem:$0x16800] =	vst v63  }
0x86: {  	s10 =	rddreg [dreg:$0x8]  }
0x87: {  	s15 =	simm.s32 @!p1 $0x6800;
	s10 =	sadd.s32 @!p1 s8, s10  }
0x88: {  	[tilespmem:s15], [sflag:$0x1] =	stream.strided.gather @!p1 [hbm4b:s10+s11], $0x2000, s14, s11, $0x38;
	[tilespmem:$0x16800] =	vst v63  }
0x89: {  	s10 =	rddreg [dreg:$0x9]  }
0x8a: {  	s8 =	sadd.s32 @!p1 s8, s10;
	s10 =	simm.s32 @!p1 $0x8800  }
0x8b: {  	[tilespmem:s10], [sflag:$0x1] =	stream.strided.gather @!p1 [hbm4b:s8+s11], $0x2000, s14, s11, $0x38;
	[tilespmem:$0x16800] =	vst v63  }
0x8c: {  	_ =	swait.ge [sflag:s1], $0x2000  }
0x8d: {  	[sflag:s1] =	ssyncset.done $0x0  }
0x8e: {  	[sflag:s1] =	ssyncadd.s32 $0xFFFFE000  }
0x8f: {  	_ =	swait.ge [sflag:s1], $0x2000  }
0x90: {  	[sflag:s1] =	ssyncset.done $0x0  }
0x91: {  	[sflag:s1] =	ssyncadd.s32 $0xFFFFE000  }
0x92: {  	_ =	swait.ge [sflag:s1], $0x2000  }
0x93: {  	[sflag:s1] =	ssyncset.done $0x0  }
0x94: {  	[sflag:s1] =	ssyncadd.s32 $0xFFFFE000  }
0x95: {  	_ =	swait.ge [sflag:s1], $0x2000  }
0x96: {  	[sflag:s1] =	ssyncset.done $0x0  }
0x97: {  	s8 =	simm.s32 @!p0 $0x4;
	[sflag:s1] =	ssyncadd.s32 $0xFFFFE000  }
0x98: {  	_ =	swait.ge @!p0 [sflag:s8], $0x800  }
0x99: {  	[sflag:s8] =	ssyncset.done @!p0 $0x0  }
0x9a: {  	[sflag:s8] =	ssyncadd.s32 @!p0 $0xFFFFF800  }
0x9b: {  	_ =	swait.ge @!p0 [sflag:s8], $0x800  }
0x9c: {  	[sflag:s8] =	ssyncset.done @!p0 $0x0  }
0x9d: {  	[sflag:s8] =	ssyncadd.s32 @!p0 $0xFFFFF800  }
0x9e: {  	_ =	swait.ge @!p0 [sflag:s8], $0x800  }
0x9f: {  	[sflag:s8] =	ssyncset.done @!p0 $0x0  }
0xa0: {  	[sflag:s8] =	ssyncadd.s32 @!p0 $0xFFFFF800  }
0xa1: {  	_ =	swait.ge @!p0 [sflag:s8], $0x800  }
0xa2: {  	[sflag:s8] =	ssyncset.done @!p0 $0x0  }
0xa3: {  	[sflag:s8] =	ssyncadd.s32 @!p0 $0xFFFFF800;
	s8 =	simm.s32 $0x0  }
0xa4: {  	v1 =	vld [tilespmem:s8+$0x2000];
	_ =	sdelay $0x7  }
0xa5: {  	v2 =	vld.idx.msk [tilespmem:v1+s9+$0x0], $0xffff;
	_ =	sdelay $0x4  }
0xa6: {  	[tilespmem:s8+$0x14800] =	vst v2  }
0xa7: {  	v2 =	vld.idx.msk [tilespmem:v1+s12+$0x0], $0xffff;
	_ =	sdelay $0x4  }
0xa8: {  	[tilespmem:s8+$0x15000] =	vst v2  }
0xa9: {  	v2 =	vld.idx.msk [tilespmem:v1+s13+$0x0], $0xffff;
	_ =	sdelay $0x3  }
0xaa: {  	s5 =	sadd.s32 $0x1, s5;
	s11 =	simm.s32 $0x10;
	s10 =	simm.s32 $0x80  }
.LBB2_7:
0xab: {  	p0 =	sne.s32 s10, $0x1FC0;
	v3 =	vld [tilespmem:s11+$0x2000];
	[tilespmem:s8+$0x15800] =	vst v2  }
0xac: {  	v2 =	vld.idx.msk [tilespmem:v1+s25+$0x0], $0xffff;
	_ =	sdelay $0x3  }
0xad: {  	v1 =	vmov v3;
	_ =	sdelay $0x1  }
0xae: {  	[tilespmem:s8+$0x16000] =	vst v2;
	s8 =	smov.u32 s11  }
0xaf: {  	v2 =	vld.idx.msk [tilespmem:v3+s9+$0x0], $0xffff;
	_ =	sdelay $0x5  }
0xb0: {  	[tilespmem:s8+$0x14800] =	vst v2  }
0xb1: {  	v2 =	vld.idx.msk [tilespmem:v3+s12+$0x0], $0xffff;
	_ =	sdelay $0x5  }
0xb2: {  	[tilespmem:s8+$0x15000] =	vst v2  }
0xb3: {  	v2 =	vld.idx.msk [tilespmem:v3+s13+$0x0], $0xffff  }
.Ltmp2:
0xb4: {  	(pc) =	sbr.rel @p0 .LBB2_7-.Ltmp2, $2  }
0xb5: {  	_ =	sdelay $0x2  }
0xb6: {  	s11 =	sshra.s32 s10, $0x2;
	s10 =	sadd.s32 $0x40, s10  }
0xb7: {  	_ =	sdelay $0x1  }
0xb8: {  	v3 =	vld [tilespmem:s11+$0x2000]  }
0xb9: {  	[tilespmem:s8+$0x15800] =	vst v2  }
0xba: {  	v1 =	vld.idx.msk [tilespmem:v1+s25+$0x0], $0xffff;
	_ =	sdelay $0x4  }
0xbb: {  	[tilespmem:s8+$0x16000] =	vst v1  }
0xbc: {  	v1 =	vld.idx.msk [tilespmem:v3+s9+$0x0], $0xffff;
	_ =	sdelay $0x4  }
0xbd: {  	[tilespmem:s11+$0x14800] =	vst v1  }
0xbe: {  	v1 =	vld.idx.msk [tilespmem:v3+s12+$0x0], $0xffff;
	_ =	sdelay $0x4  }
0xbf: {  	[tilespmem:s11+$0x15000] =	vst v1  }
0xc0: {  	v1 =	vld.idx.msk [tilespmem:v3+s13+$0x0], $0xffff;
	_ =	sdelay $0x4  }
0xc1: {  	[tilespmem:s11+$0x15800] =	vst v1  }
0xc2: {  	v1 =	vld.idx.msk [tilespmem:v3+s25+$0x0], $0xffff;
	_ =	sdelay $0x3  }
0xc3: {  	s2 =	sshll.u32 s2, $0xB  }
0xc4: {  	s10 =	simm.s32 $0x14800;
	[tilespmem:s11+$0x16000] =	vst v1;
	s11 =	sadd.s32 s2, s23  }
0xc5: {  	[hbm4b:s11+s29] =	stream.strided.scatter [tilespmem:s10], [sflag:$0x4], $0x800, s3, s29, $0x38;
	[tilespmem:$0x16800] =	vst v63  }
0xc6: {  	s15 =	simm.s32 $0x15000;
	p0 =	sne.s32 s5, $0x20;
	s14 =	sadd.s32 s2, s24  }
0xc7: {  	[hbm4b:s14+s29] =	stream.strided.scatter [tilespmem:s15], [sflag:$0x4], $0x800, s3, s29, $0x38;
	[tilespmem:$0x16800] =	vst v63  }
.Ltmp3:
0xc8: {  	_ = 	snop;
	(pc) =	sbr.rel @p0 .LBB2_4-.Ltmp3, $4  }
0xc9: {  	s11 =	sadd.s32 s2, s26;
	s14 =	simm.s32 $0x15800  }
0xca: {  	[hbm4b:s11+s29] =	stream.strided.scatter [tilespmem:s14], [sflag:$0x4], $0x800, s3, s29, $0x38;
	[tilespmem:$0x16800] =	vst v63  }
0xcb: {  	s2 =	sadd.s32 s2, s28;
	s15 =	simm.s32 $0x16000  }
0xcc: {  	[hbm4b:s2+s29] =	stream.strided.scatter [tilespmem:s15], [sflag:$0x4], $0x800, s3, s29, $0x38;
	[tilespmem:$0x16800] =	vst v63  }
0xcd: {  	s2 =	simm.s32 $0x3  }
0xce: {  	_ =	swait.ge [sflag:s2], $0x800  }
0xcf: {  	[sflag:s2] =	ssyncset.done $0x0  }
0xd0: {  	[sflag:s2] =	ssyncadd.s32 $0xFFFFF800  }
0xd1: {  	_ =	swait.ge [sflag:s2], $0x800  }
0xd2: {  	[sflag:s2] =	ssyncset.done $0x0  }
0xd3: {  	[sflag:s2] =	ssyncadd.s32 $0xFFFFF800  }
0xd4: {  	_ =	swait.ge [sflag:s2], $0x800  }
0xd5: {  	[sflag:s2] =	ssyncset.done $0x0  }
0xd6: {  	[sflag:s2] =	ssyncadd.s32 $0xFFFFF800  }
0xd7: {  	_ =	swait.ge [sflag:s2], $0x800  }
0xd8: {  	[sflag:s2] =	ssyncset.done $0x0  }
0xd9: {  	s5 =	simm.s32 $0x4;
	[sflag:s2] =	ssyncadd.s32 $0xFFFFF800  }
0xda: {  	_ =	swait.ge [sflag:s5], $0x800  }
0xdb: {  	[sflag:s5] =	ssyncset.done $0x0  }
0xdc: {  	[sflag:s5] =	ssyncadd.s32 $0xFFFFF800  }
0xdd: {  	_ =	swait.ge [sflag:s5], $0x800  }
0xde: {  	[sflag:s5] =	ssyncset.done $0x0  }
0xdf: {  	[sflag:s5] =	ssyncadd.s32 $0xFFFFF800  }
0xe0: {  	_ =	swait.ge [sflag:s5], $0x800  }
0xe1: {  	[sflag:s5] =	ssyncset.done $0x0  }
0xe2: {  	[sflag:s5] =	ssyncadd.s32 $0xFFFFF800  }
0xe3: {  	_ =	swait.ge [sflag:s5], $0x800  }
0xe4: {  	s8 =	rddreg [dreg:$0x10]  }
0xe5: {  	s15 =	rddreg [dreg:$0xf];
	s8 =	sadd.s32 $0x1, s8  }
0xe6: {  	p0 =	sne.s32 s8, s15  }
.Ltmp4:
0xe7: {  	_ = 	snop;
	(pc) =	sbr.rel @p0 .LBB2_1-.Ltmp4, $3  }
0xe8: {  	_ =	sdelay $0x1  }
0xe9: {  	[sflag:s5] =	ssyncset.done $0x0  }
0xea: {  	[sflag:s5] =	ssyncadd.s32 $0xFFFFF800  }
0xeb: {  	_ =	sfence.sel $0x180000  }
0xec: {  	[bflag:$0x0] =	sbarrier.arrive $0xFFFF  }
0xed: {  	_ =	strace $0x90000047  }
0xee: {  	s0 =	stileid.u32;
	[bflag:$0x2] =	sbarrier.arrive $0xFFFF  }
0xef: {  	p0 =	sne.s32 s0, $0x0;
	s0 =	rddreg [dreg:$0x3]  }
0xf0: {  	s0 =	sadd.s32 @!p0 $0x100000, s0  }
0xf1: {  	[sflag:s0] =	ssyncadd.tile.s32 @!p0 $0x1;
	_ =	shalt  }
.Lfunc_end2:
_tile_overlayer_lowered:
.L_overlay_start_2:
0xf2: {  	(tag) =	ssettag $0x2  }
0xf3: {  	s0 =	rddreg [dreg:$0x0];
	s2 =	stileid.u32  }
0xf4: {  	s1 =	rddreg [dreg:$0x1];
	p0 =	sne.s32 s2, $0x0  }
0xf5: {  	s3 =	rddreg [dreg:$0x2];
	[bflag:$0x3] =	sbarrier.arrive $0xFFFF;
	s2 =	simm.s32 @!p0 $0x1C05  }
0xf6: {  	[timem:s3], [sflag:s2] =	dma.local @!p0 [hbm:s0], s1  }
0xf7: {  	s0 =	simm.s32 @!p0 $0x5  }
0xf8: {  	_ =	swait.ge @!p0 [sflag:s0], s1  }
0xf9: {  	s1 =	ssub.s32 @!p0 $0x0, s1;
	[sflag:s0] =	ssyncset.done @!p0 $0x0  }
0xfa: {  	[sflag:s0] =	ssyncadd.s32 @!p0 s1  }
0xfb: {  	[bflag:$0x3] =	sbarrier.arrive $0xFFFF  }
0xfc: {  	_ =	shalt  }

</sc_bundles>
